<compile_context>
chip_gen: v7x
topology: tpu7x:2x2x1
jax: 0.10.2.dev20260603
libtpu: 0.0.44.dev20260713+nightly
codegen_flags: <defaults>
</compile_context>

<pallas_src>
import functools

import jax
import jax.numpy as jnp
from jax.experimental import pallas as pl
from jax.experimental.pallas import tpu as pltpu
from jax.experimental.pallas import tpu_sc as plsc

_dot = functools.partial(jnp.dot, preferred_element_type=jnp.float32,
                         precision=jax.lax.Precision.HIGHEST)

K = 16
NEG = 0.01
R = 256


def _lrelu(x):
    return jnp.where(x >= 0, x, NEG * x)


def _knn_kernel(f_full_ref, f_rows_ref, idx_ref, table_ref):
    fb = f_full_ref[0]
    fr = f_rows_ref[0]
    d = fb.shape[1]
    table_ref[0] = jnp.concatenate(
        [fb, jnp.zeros((fb.shape[0], 128 - d), jnp.float32)], axis=1)
    sqr = jax.lax.dot_general(
        jnp.ones((1, d), jnp.float32), fb * fb, (((1,), (1,)), ((), ())),
        preferred_element_type=jnp.float32)
    ab = jax.lax.dot_general(
        fr, fb, (((1,), (1,)), ((), ())),
        preferred_element_type=jnp.float32,
        precision=jax.lax.Precision.HIGHEST)
    sqi = jnp.sum(fr * fr, axis=1, keepdims=True)
    v = (sqi + sqr) - 2.0 * ab
    j = jax.lax.broadcasted_iota(jnp.int32, v.shape, 1)
    base = pl.program_id(0) * fb.shape[0]
    cols = []
    for _ in range(K):
        idxk = jnp.argmin(v, axis=1).astype(jnp.int32)[:, None]
        cols.append(idxk + base)
        v = jnp.where(j == idxk, jnp.inf, v)
    idx_ref[0] = jnp.concatenate(cols, axis=1)


def _knn(f):
    B, n, d = f.shape
    grid = (B, n // R)
    return pl.pallas_call(
        _knn_kernel,
        grid=grid,
        in_specs=[
            pl.BlockSpec((1, n, d), lambda b, i: (b, 0, 0)),
            pl.BlockSpec((1, R, d), lambda b, i: (b, i, 0)),
        ],
        out_specs=[
            pl.BlockSpec((1, R, K), lambda b, i: (b, i, 0)),
            pl.BlockSpec((1, n, 128), lambda b, i: (b, 0, 0)),
        ],
        out_shape=[
            jax.ShapeDtypeStruct((B, n, K), jnp.int32),
            jax.ShapeDtypeStruct((B, n, 128), jnp.float32),
        ],
    )(f, f)


def _sc_gather(table, idx):
    T, D = table.shape
    Btot = idx.shape[0]
    info = plsc.get_sparse_core_info()
    NC, NS = info.num_cores, info.num_subcores
    NW = NC * NS
    b_per_w = Btot // NW
    CH = 128
    NBUF = 4
    nch = b_per_w // CH
    mesh = plsc.VectorSubcoreMesh(core_axis_name="c", subcore_axis_name="s")

    def gk(table_hbm, idx_hbm, out_hbm, idx_v, rows_v, sems):
        wid = jax.lax.axis_index("s") * NC + jax.lax.axis_index("c")
        base = wid * b_per_w

        @pl.loop(0, nch, step=NBUF)
        def body(c0):
            handles = []
            for b in range(NBUF):
                off = base + (c0 + b) * CH
                pltpu.sync_copy(idx_hbm.at[pl.ds(off, CH)], idx_v[b])
                handles.append(
                    pltpu.async_copy(table_hbm.at[idx_v[b]], rows_v[b],
                                     sems[b]))
            for b in range(NBUF):
                handles[b].wait()
            for b in range(NBUF):
                off = base + (c0 + b) * CH
                pltpu.sync_copy(rows_v[b], out_hbm.at[pl.ds(off, CH)])

    return pl.kernel(
        gk,
        out_type=jax.ShapeDtypeStruct((Btot, D), jnp.float32),
        mesh=mesh,
        scratch_types=[
            [pltpu.VMEM((CH,), jnp.int32) for _ in range(NBUF)],
            [pltpu.VMEM((CH, D), jnp.float32) for _ in range(NBUF)],
            [pltpu.SemaphoreType.DMA for _ in range(NBUF)],
        ],
    )(table, idx)


def _edge_kernel(f_rows_ref, xj_ref, W1_ref, b1_ref, W1bp_ref, W2_ref,
                 b2_ref, out_ref):
    fr = f_rows_ref[0]
    xjb = xj_ref[0]
    d = fr.shape[1]
    W1 = W1_ref[...]
    W1a = W1[:d]
    W1b = W1[d:]
    b1 = b1_ref[...]
    A = _dot(fr, W1a - W1b) + b1
    W1bp = W1bp_ref[...]
    W2 = W2_ref[...]
    b2 = b2_ref[...]
    acc = None
    for k in range(K):
        xg = _dot(xjb[k], W1bp)
        h1 = _lrelu(xg + A)
        h2 = _lrelu(_dot(h1, W2) + b2)
        acc = h2 if acc is None else jnp.maximum(acc, h2)
    out_ref[0] = acc


def _edge_conv(f, W1, b1, W2, b2):
    B, n, d = f.shape
    h = W1.shape[1]
    h_out = W2.shape[1]
    idx, table = _knn(f)
    idx_flat = jnp.transpose(idx, (0, 2, 1)).reshape(-1)
    xj = _sc_gather(table.reshape(B * n, 128), idx_flat)
    xj = xj.reshape(B, K, n, 128)
    W1bp = jnp.pad(W1[d:], ((0, 128 - d), (0, 0)))
    grid = (B, n // R)
    wspec = lambda arr: pl.BlockSpec(arr.shape, lambda b, i: (0,) * arr.ndim)
    return pl.pallas_call(
        _edge_kernel,
        grid=grid,
        in_specs=[
            pl.BlockSpec((1, R, d), lambda b, i: (b, i, 0)),
            pl.BlockSpec((1, K, R, 128), lambda b, i: (b, 0, i, 0)),
            wspec(W1), wspec(b1), wspec(W1bp), wspec(W2), wspec(b2),
        ],
        out_specs=pl.BlockSpec((1, R, h_out), lambda b, i: (b, i, 0)),
        out_shape=jax.ShapeDtypeStruct((B, n, h_out), jnp.float32),
    )(f, xj, W1, b1, W1bp, W2, b2)


def _head_kernel(comb_ref, l1W1_ref, l1b1_ref, l1W2_ref, l1b2_ref,
                 mW1_ref, mb1_ref, mW2_ref, mb2_ref, out_ref):
    cb = comb_ref[0]
    h = _lrelu(_dot(cb, l1W1_ref[...])
               + l1b1_ref[...])
    h = _dot(h, l1W2_ref[...]) \
        + l1b2_ref[...]
    pooled = jnp.max(h, axis=0, keepdims=True)
    o = _lrelu(pooled)
    o = _lrelu(_dot(o, mW1_ref[...])
               + mb1_ref[...])
    o = _dot(o, mW2_ref[...]) \
        + mb2_ref[...]
    out_ref[0] = o


def _head(comb, l1_W1, l1_b1, l1_W2, l1_b2, m_W1, m_b1, m_W2, m_b2):
    B, n, c = comb.shape
    wspec = lambda arr: pl.BlockSpec(arr.shape, lambda b: (0,) * arr.ndim)
    return pl.pallas_call(
        _head_kernel,
        grid=(B,),
        in_specs=[
            pl.BlockSpec((1, n, c), lambda b: (b, 0, 0)),
            wspec(l1_W1), wspec(l1_b1), wspec(l1_W2), wspec(l1_b2),
            wspec(m_W1), wspec(m_b1), wspec(m_W2), wspec(m_b2),
        ],
        out_specs=pl.BlockSpec((1, 1, m_W2.shape[1]), lambda b: (b, 0, 0)),
        out_shape=jax.ShapeDtypeStruct((B, 1, m_W2.shape[1]), jnp.float32),
    )(comb, l1_W1, l1_b1, l1_W2, l1_b2, m_W1, m_b1, m_W2, m_b2).reshape(
        B, m_W2.shape[1])


def kernel(x, pos, tq, batch,
           c11_W1, c11_b1, c11_W2, c11_b2,
           c12_W1, c12_b1, c12_W2, c12_b2,
           c2_W1, c2_b1, c2_W2, c2_b2,
           l1_W1, l1_b1, l1_W2, l1_b2,
           m_W1, m_b1, m_W2, m_b2):
    N = x.shape[0]
    B = 8
    n = N // B
    xx1 = jnp.concatenate([pos[:, :2], x], axis=1).reshape(B, n, 3)
    xx2 = jnp.concatenate([pos[:, 2:3], x], axis=1).reshape(B, n, 2)
    x11 = _edge_conv(xx1, c11_W1, c11_b1, c11_W2, c11_b2)
    x21 = _edge_conv(xx2, c12_W1, c12_b1, c12_W2, c12_b2)
    x1p2 = _edge_conv(x11, c2_W1, c2_b1, c2_W2, c2_b2)
    x2p2 = _edge_conv(x21, c2_W1, c2_b1, c2_W2, c2_b2)
    x1p3 = _edge_conv(x1p2, c2_W1, c2_b1, c2_W2, c2_b2)
    x2p3 = _edge_conv(x2p2, c2_W1, c2_b1, c2_W2, c2_b2)
    comb = jnp.concatenate(
        [xx1, x11, x1p2, x1p3, xx2, x21, x2p2, x2p3], axis=-1)
    return _head(comb, l1_W1, l1_b1, l1_W2, l1_b2, m_W1, m_b1, m_W2, m_b2)

# --- scband reference (transcript-rebuilt; emitter-appended) ---
"""Pipeline reference for scband-dgcnn-type4-87076166959375 (READ-ONLY COPY).

The authoritative reference and input builder live on the scoring server;
editing this copy changes nothing except your own understanding.
"""

import jax, jax.numpy as jnp
import numpy as np

K = 16
NEG = 0.01
B = 8
N = 16384

def _lrelu(x):
    return jnp.where(x >= 0, x, NEG * x)

def _knn_idx(f):
    # f: [B, n, d]; k nearest (incl. self, like torch_geometric knn) in feature space
    sq = jnp.sum(f * f, axis=-1)
    d2 = sq[:, :, None] + sq[:, None, :] - 2.0 * jnp.einsum('bnd,bmd->bnm', f, f)
    _, idx = jax.lax.top_k(-d2, K)
    return idx  # [B, n, K]

def _edge_conv(f, W1, b1, W2, b2):
    # DynamicEdgeConv: knn in current feature space, msg = mlp([x_i, x_j - x_i]), max-aggr
    idx = _knn_idx(f)
    xj = jax.vmap(lambda fb, ib: fb[ib])(f, idx)              # gather: [B, n, K, d]
    xi = jnp.broadcast_to(f[:, :, None, :], xj.shape)
    msg = jnp.concatenate([xi, xj - xi], axis=-1)
    h = _lrelu(msg @ W1 + b1)
    h = _lrelu(h @ W2 + b2)
    return jnp.max(h, axis=2)                                  # [B, n, out]

def _forward(batch, x, pos, tq,
             c11_W1, c11_b1, c11_W2, c11_b2,
             c12_W1, c12_b1, c12_W2, c12_b2,
             c2_W1, c2_b1, c2_W2, c2_b2,
             l1_W1, l1_b1, l1_W2, l1_b2,
             m_W1, m_b1, m_W2, m_b2):
    n = N // B
    # fea == 1 branch
    xx1 = jnp.concatenate([pos[:, :2], x], axis=1).reshape(B, n, 3)
    xx2 = jnp.concatenate([pos[:, 2].reshape(-1, 1), x], axis=1).reshape(B, n, 2)
    x11 = _edge_conv(xx1, c11_W1, c11_b1, c11_W2, c11_b2)
    x21 = _edge_conv(xx2, c12_W1, c12_b1, c12_W2, c12_b2)
    comb1 = [xx1, x11]
    comb2 = [xx2, x21]
    x1p, x2p = x11, x21
    for _ in range(2):  # depths=3, i=1,2
        x1p = _edge_conv(x1p, c2_W1, c2_b1, c2_W2, c2_b2)
        comb1.append(x1p)
        x2p = _edge_conv(x2p, c2_W1, c2_b1, c2_W2, c2_b2)
        comb2.append(x2p)
    comb = jnp.concatenate(comb1 + comb2, axis=-1).reshape(N, -1)  # [N, 197]
    h = _lrelu(comb @ l1_W1 + l1_b1) @ l1_W2 + l1_b2               # lin1 -> [N, 256]
    pooled = jax.ops.segment_max(h, batch, num_segments=B)         # global_max_pool
    o = _lrelu(pooled)
    o = _lrelu(o @ m_W1 + m_b1)
    o = o @ m_W2 + m_b2
    return o  # [B, 40]

def setup_inputs(seed: int = 0):
    key = jax.random.key(seed)
    ks = jax.random.split(key, 32)
    def lin(k, i, o):
        return (jax.random.normal(k, (i, o), jnp.float32) / np.sqrt(i)).astype(jnp.float32)
    def bias(k, o):
        return jax.random.normal(k, (o,), jnp.float32) * 0.01
    inp = {
        'x': jax.random.normal(ks[0], (N, 1), jnp.float32),
        'pos': jax.random.normal(ks[1], (N, 3), jnp.float32),
        'tq': jax.random.normal(ks[2], (N, 1), jnp.float32),
        'batch': jnp.repeat(jnp.arange(B, dtype=jnp.int32), N // B),
        'c11_W1': lin(ks[3], 6, 32),   'c11_b1': bias(ks[4], 32),
        'c11_W2': lin(ks[5], 32, 32),  'c11_b2': bias(ks[6], 32),
        'c12_W1': lin(ks[7], 4, 32),   'c12_b1': bias(ks[8], 32),
        'c12_W2': lin(ks[9], 32, 32),  'c12_b2': bias(ks[10], 32),
        'c2_W1': lin(ks[11], 64, 64),  'c2_b1': bias(ks[12], 64),
        'c2_W2': lin(ks[13], 64, 32),  'c2_b2': bias(ks[14], 32),
        'l1_W1': lin(ks[15], 197, 512), 'l1_b1': bias(ks[16], 512),
        'l1_W2': lin(ks[17], 512, 256), 'l1_b2': bias(ks[18], 256),
        'm_W1': lin(ks[19], 256, 128),  'm_b1': bias(ks[20], 128),
        'm_W2': lin(ks[21], 128, 40),   'm_b2': bias(ks[22], 40),
    }
    return inp

def reference(x, pos, tq, batch,
              c11_W1, c11_b1, c11_W2, c11_b2,
              c12_W1, c12_b1, c12_W2, c12_b2,
              c2_W1, c2_b1, c2_W2, c2_b2,
              l1_W1, l1_b1, l1_W2, l1_b2,
              m_W1, m_b1, m_W2, m_b2):
    return _forward(batch, x, pos, tq,
                    c11_W1, c11_b1, c11_W2, c11_b2,
                    c12_W1, c12_b1, c12_W2, c12_b2,
                    c2_W1, c2_b1, c2_W2, c2_b2,
                    l1_W1, l1_b1, l1_W2, l1_b2,
                    m_W1, m_b1, m_W2, m_b2)

if __name__ == "__main__":
    import jax
    _d = setup_inputs()
    print(jax.jit(kernel)(*tuple(_d.values())))

</pallas_src>

<mosaic_0001>
module attributes {stable_mosaic.version = 14 : i64} {
  func.func @_head_kernel(%arg0: i32, %arg1: memref<1x2048x197xf32, #tpu.memory_space<vmem>>, %arg2: memref<197x512xf32, #tpu.memory_space<vmem>>, %arg3: memref<512xf32, #tpu.memory_space<vmem>>, %arg4: memref<512x256xf32, #tpu.memory_space<vmem>>, %arg5: memref<256xf32, #tpu.memory_space<vmem>>, %arg6: memref<256x128xf32, #tpu.memory_space<vmem>>, %arg7: memref<128xf32, #tpu.memory_space<vmem>>, %arg8: memref<128x40xf32, #tpu.memory_space<vmem>>, %arg9: memref<40xf32, #tpu.memory_space<vmem>>, %arg10: memref<1x1x40xf32, #tpu.memory_space<vmem>>) attributes {dimension_semantics = [#tpu.dimension_semantics<arbitrary>], iteration_bounds = array<i64: 8>, scalar_prefetch = 0 : i64, scratch_operands = 0 : i64, tpu.core_type = #tpu.core_type<tc>, window_params = [{transform_indices = @transform_0, window_bounds = array<i64: 1, 2048, 197>}, {pipeline_mode = #tpu.pipeline_mode<synchronous>, transform_indices = @transform_1, window_bounds = array<i64: 197, 512>}, {pipeline_mode = #tpu.pipeline_mode<synchronous>, transform_indices = @transform_2, window_bounds = array<i64: 512>}, {pipeline_mode = #tpu.pipeline_mode<synchronous>, transform_indices = @transform_3, window_bounds = array<i64: 512, 256>}, {pipeline_mode = #tpu.pipeline_mode<synchronous>, transform_indices = @transform_4, window_bounds = array<i64: 256>}, {pipeline_mode = #tpu.pipeline_mode<synchronous>, transform_indices = @transform_5, window_bounds = array<i64: 256, 128>}, {pipeline_mode = #tpu.pipeline_mode<synchronous>, transform_indices = @transform_6, window_bounds = array<i64: 128>}, {pipeline_mode = #tpu.pipeline_mode<synchronous>, transform_indices = @transform_7, window_bounds = array<i64: 128, 40>}, {pipeline_mode = #tpu.pipeline_mode<synchronous>, transform_indices = @transform_8, window_bounds = array<i64: 40>}, {transform_indices = @transform_9, window_bounds = array<i64: 1, 1, 40>}]} {
    %get3A = arith.constant 0 : index
    %get3A_0 = arith.constant 0 : index
    %get3A_1 = arith.constant 0 : index
    %get3A_2 = vector.load %arg1[%get3A, %get3A_0, %get3A_1] : memref<1x2048x197xf32, #tpu.memory_space<vmem>>, vector<1x2048x197xf32>
    %get3A_3 = vector.shape_cast %get3A_2 : vector<1x2048x197xf32> to vector<2048x197xf32>
    %get3A_4 = arith.constant 0 : index
    %get3A_5 = arith.constant 0 : index
    %get3A_6 = vector.load %arg2[%get3A_4, %get3A_5] : memref<197x512xf32, #tpu.memory_space<vmem>>, vector<197x512xf32>
    %dot_general3A = arith.constant dense<0.000000e+00> : vector<2048x512xf32>
    %dot_general3A_7 = tpu.matmul %get3A_3, %get3A_6, %dot_general3A {dimension_numbers = #tpu.dot_dimension_numbers<[1], [0], [0], [1], [0, 0, 1, 1], [], []>, precision = #tpu.contract_precision<fp32>, transpose_lhs_hint = false} : vector<2048x197xf32>, vector<197x512xf32>, vector<2048x512xf32> -> vector<2048x512xf32>
    %get3A_8 = arith.constant 0 : index
    %get3A_9 = vector.load %arg3[%get3A_8] : memref<512xf32, #tpu.memory_space<vmem>>, vector<512xf32>
    %broadcast_in_dim3A = vector.shape_cast %get3A_9 : vector<512xf32> to vector<1x512xf32>
    %add3A = vector.broadcast %broadcast_in_dim3A : vector<1x512xf32> to vector<2048x512xf32>
    %add3A_10 = arith.addf %dot_general3A_7, %add3A : vector<2048x512xf32>
    %ge3A = arith.constant 0.000000e+00 : f32
    %ge3A_11 = vector.broadcast %ge3A : f32 to vector<2048x512xf32>
    %ge3A_12 = arith.cmpf oge, %add3A_10, %ge3A_11 : vector<2048x512xf32>
    %mul3A = arith.constant 0.00999999977 : f32
    %mul3A_13 = vector.broadcast %mul3A : f32 to vector<2048x512xf32>
    %mul3A_14 = arith.mulf %mul3A_13, %add3A_10 : vector<2048x512xf32>
    %select_n3A = arith.select %ge3A_12, %add3A_10, %mul3A_14 : vector<2048x512xi1>, vector<2048x512xf32>
    %get3A_15 = arith.constant 0 : index
    %get3A_16 = arith.constant 0 : index
    %get3A_17 = vector.load %arg4[%get3A_15, %get3A_16] : memref<512x256xf32, #tpu.memory_space<vmem>>, vector<512x256xf32>
    %dot_general3A_18 = arith.constant dense<0.000000e+00> : vector<2048x256xf32>
    %dot_general3A_19 = tpu.matmul %select_n3A, %get3A_17, %dot_general3A_18 {dimension_numbers = #tpu.dot_dimension_numbers<[1], [0], [0], [1], [0, 0, 1, 1], [], []>, precision = #tpu.contract_precision<fp32>, transpose_lhs_hint = false} : vector<2048x512xf32>, vector<512x256xf32>, vector<2048x256xf32> -> vector<2048x256xf32>
    %get3A_20 = arith.constant 0 : index
    %get3A_21 = vector.load %arg5[%get3A_20] : memref<256xf32, #tpu.memory_space<vmem>>, vector<256xf32>
    %broadcast_in_dim3A_22 = vector.shape_cast %get3A_21 : vector<256xf32> to vector<1x256xf32>
    %add3A_23 = vector.broadcast %broadcast_in_dim3A_22 : vector<1x256xf32> to vector<2048x256xf32>
    %add3A_24 = arith.addf %dot_general3A_19, %add3A_23 : vector<2048x256xf32>
    %reduce_max3A = arith.constant dense<0xFF800000> : vector<256xf32>
    %reduce_max3A_25 = vector.multi_reduction <maximumf>, %add3A_24, %reduce_max3A [0] : vector<2048x256xf32> to vector<256xf32>
    %broadcast_in_dim3A_26 = vector.shape_cast %reduce_max3A_25 : vector<256xf32> to vector<1x256xf32>
    %ge3A_27 = arith.constant 0.000000e+00 : f32
    %ge3A_28 = vector.broadcast %ge3A_27 : f32 to vector<1x256xf32>
    %ge3A_29 = arith.cmpf oge, %broadcast_in_dim3A_26, %ge3A_28 : vector<1x256xf32>
    %mul3A_30 = arith.constant 0.00999999977 : f32
    %mul3A_31 = vector.broadcast %mul3A_30 : f32 to vector<1x256xf32>
    %mul3A_32 = arith.mulf %mul3A_31, %broadcast_in_dim3A_26 : vector<1x256xf32>
    %select_n3A_33 = arith.select %ge3A_29, %broadcast_in_dim3A_26, %mul3A_32 : vector<1x256xi1>, vector<1x256xf32>
    %get3A_34 = arith.constant 0 : index
    %get3A_35 = arith.constant 0 : index
    %get3A_36 = vector.load %arg6[%get3A_34, %get3A_35] : memref<256x128xf32, #tpu.memory_space<vmem>>, vector<256x128xf32>
    %dot_general3A_37 = arith.constant dense<0.000000e+00> : vector<1x128xf32>
    %dot_general3A_38 = tpu.matmul %select_n3A_33, %get3A_36, %dot_general3A_37 {dimension_numbers = #tpu.dot_dimension_numbers<[1], [0], [0], [1], [0, 0, 1, 1], [], []>, precision = #tpu.contract_precision<fp32>, transpose_lhs_hint = false} : vector<1x256xf32>, vector<256x128xf32>, vector<1x128xf32> -> vector<1x128xf32>
    %get3A_39 = arith.constant 0 : index
    %get3A_40 = vector.load %arg7[%get3A_39] : memref<128xf32, #tpu.memory_space<vmem>>, vector<128xf32>
    %broadcast_in_dim3A_41 = vector.shape_cast %get3A_40 : vector<128xf32> to vector<1x128xf32>
    %add3A_42 = arith.addf %dot_general3A_38, %broadcast_in_dim3A_41 : vector<1x128xf32>
    %ge3A_43 = arith.constant 0.000000e+00 : f32
    %ge3A_44 = vector.broadcast %ge3A_43 : f32 to vector<1x128xf32>
    %ge3A_45 = arith.cmpf oge, %add3A_42, %ge3A_44 : vector<1x128xf32>
    %mul3A_46 = arith.constant 0.00999999977 : f32
    %mul3A_47 = vector.broadcast %mul3A_46 : f32 to vector<1x128xf32>
    %mul3A_48 = arith.mulf %mul3A_47, %add3A_42 : vector<1x128xf32>
    %select_n3A_49 = arith.select %ge3A_45, %add3A_42, %mul3A_48 : vector<1x128xi1>, vector<1x128xf32>
    %get3A_50 = arith.constant 0 : index
    %get3A_51 = arith.constant 0 : index
    %get3A_52 = vector.load %arg8[%get3A_50, %get3A_51] : memref<128x40xf32, #tpu.memory_space<vmem>>, vector<128x40xf32>
    %dot_general3A_53 = arith.constant dense<0.000000e+00> : vector<1x40xf32>
    %dot_general3A_54 = tpu.matmul %select_n3A_49, %get3A_52, %dot_general3A_53 {dimension_numbers = #tpu.dot_dimension_numbers<[1], [0], [0], [1], [0, 0, 1, 1], [], []>, precision = #tpu.contract_precision<fp32>, transpose_lhs_hint = false} : vector<1x128xf32>, vector<128x40xf32>, vector<1x40xf32> -> vector<1x40xf32>
    %get3A_55 = arith.constant 0 : index
    %get3A_56 = vector.load %arg9[%get3A_55] : memref<40xf32, #tpu.memory_space<vmem>>, vector<40xf32>
    %broadcast_in_dim3A_57 = vector.shape_cast %get3A_56 : vector<40xf32> to vector<1x40xf32>
    %add3A_58 = arith.addf %dot_general3A_54, %broadcast_in_dim3A_57 : vector<1x40xf32>
    %swap3A = arith.constant 0 : index
    %swap3A_59 = arith.constant 0 : index
    %swap3A_60 = arith.constant 0 : index
    %swap3A_61 = vector.load %arg10[%swap3A, %swap3A_59, %swap3A_60] : memref<1x1x40xf32, #tpu.memory_space<vmem>>, vector<1x1x40xf32>
    %swap3A_62 = vector.shape_cast %swap3A_61 : vector<1x1x40xf32> to vector<1x40xf32>
    %swap3A_63 = vector.shape_cast %add3A_58 : vector<1x40xf32> to vector<1x1x40xf32>
    tpu.vector_store %arg10[%swap3A, %swap3A_59, %swap3A_60], %swap3A_63 {strides = array<i32>} : memref<1x1x40xf32, #tpu.memory_space<vmem>>, vector<1x1x40xf32>,
    return
  }
  func.func @transform_0(%arg0: i32) -> (i32, i32, i32) {
    %c0_i32 = arith.constant 0 : i32
    %c0_i32_0 = arith.constant 0 : i32
    %c0_i32_1 = arith.constant 0 : i32
    return %arg0, %c0_i32, %c0_i32_0 : i32, i32, i32
  }
  func.func @transform_1(%arg0: i32) -> (i32, i32) {
    %c0_i32 = arith.constant 0 : i32
    %c0_i32_0 = arith.constant 0 : i32
    %c0_i32_1 = arith.constant 0 : i32
    return %c0_i32, %c0_i32_0 : i32, i32
  }
  func.func @transform_2(%arg0: i32) -> i32 {
    %c0_i32 = arith.constant 0 : i32
    %c0_i32_0 = arith.constant 0 : i32
    return %c0_i32 : i32
  }
  func.func @transform_3(%arg0: i32) -> (i32, i32) {
    %c0_i32 = arith.constant 0 : i32
    %c0_i32_0 = arith.constant 0 : i32
    %c0_i32_1 = arith.constant 0 : i32
    return %c0_i32, %c0_i32_0 : i32, i32
  }
  func.func @transform_4(%arg0: i32) -> i32 {
    %c0_i32 = arith.constant 0 : i32
    %c0_i32_0 = arith.constant 0 : i32
    return %c0_i32 : i32
  }
  func.func @transform_5(%arg0: i32) -> (i32, i32) {
    %c0_i32 = arith.constant 0 : i32
    %c0_i32_0 = arith.constant 0 : i32
    %c0_i32_1 = arith.constant 0 : i32
    return %c0_i32, %c0_i32_0 : i32, i32
  }
  func.func @transform_6(%arg0: i32) -> i32 {
    %c0_i32 = arith.constant 0 : i32
    %c0_i32_0 = arith.constant 0 : i32
    return %c0_i32 : i32
  }
  func.func @transform_7(%arg0: i32) -> (i32, i32) {
    %c0_i32 = arith.constant 0 : i32
    %c0_i32_0 = arith.constant 0 : i32
    %c0_i32_1 = arith.constant 0 : i32
    return %c0_i32, %c0_i32_0 : i32, i32
  }
  func.func @transform_8(%arg0: i32) -> i32 {
    %c0_i32 = arith.constant 0 : i32
    %c0_i32_0 = arith.constant 0 : i32
    return %c0_i32 : i32
  }
  func.func @transform_9(%arg0: i32) -> (i32, i32, i32) {
    %c0_i32 = arith.constant 0 : i32
    %c0_i32_0 = arith.constant 0 : i32
    %c0_i32_1 = arith.constant 0 : i32
    return %arg0, %c0_i32, %c0_i32_0 : i32, i32, i32
  }
}

</mosaic_0001>

<sc_bundles>
// kernel: sparse-core-data-format-call.1.cloned.1.call-start
scs
called_computation.1_lowered:
.L_overlay_start_0:
0x0: {  	s2 =	sld [smem:$0x3FD9]  }
0x1: {  	s3 =	sld [smem:$0x3FFE];
	_ =	sdelay $0x1  }
0x2: {  	s1 =	srdreg.scid  }
0x3: {  	s0 =	sand.u32 $0x1, s1  }
0x4: {  	s18 =	sshll.u32 s0, $0xA;
	s2 =	sadd.s32 s3, s2  }
0x5: {  	s2 =	sadd.s32 s2, s18  }
0x6: {  	[smem:$0x3FB2] =	sst s2  }
0x7: {  	_ = 	snop  }
0x8: {  	(tm) =	ssettm $0x1  }
0x9: {  	s19 =	sld [smem:$0x3FFB];
	_ =	sdelay $0x3  }
0xa: {  	_ =	strace s19  }
0xb: {  	s2 =	sld [smem:$0x3FFC];
	_ =	sdelay $0x3  }
0xc: {  	_ =	strace s2  }
0xd: {  	s2 =	sld [smem:$0x3FFD];
	_ =	sdelay $0x3  }
0xe: {  	_ =	strace s2  }
0xf: {  	_ =	strace $0x8FFFFFFF  }
0x10: {  	s20 =	sld [smem:$0x3FDB];
	_ =	sdelay $0x1  }
0x11: {  	s21 =	simm.s32 $_scs_section_size  }
0x12: {  	s4 =	simm.s32 $_size__tile_overlayer_lowered;
	s5 =	simm.s32 $_tile_overlayer_lowered  }
0x13: {  	s6 =	simm.s32 $0x1BFF;
	s22 =	sshll.u32 s5, $0x1;
	s3 =	sadd.s32 s21, s20  }
0x14: {  	s23 =	simm.s32 $0x0;
	s4 =	sshll.u32 s4, $0x1;
	s5 =	sadd.s32 s22, s3  }
0x15: {  	[timem:s23], [sflag:s6] =	dma.local [hbm:s5], s4  }
0x16: {  	_ =	swait.ge [sflag:s6], s4  }
0x17: {  	s4 =	ssub.s32 $0x0, s4;
	[sflag:s6] =	ssyncset.done $0x0  }
0x18: {  	[sflag:s6] =	ssyncadd.s32 s4;
	_ =	sdelay $0x1  }
0x19: {  	s24 =	simm.s32 $0x1B8B  }
0x1a: {  	_ =	swait.ge [sflag:s24], $0x1  }
0x1b: {  	[sflag:s24] =	ssyncset.done $0x0  }
0x1c: {  	[sflag:s24] =	ssyncadd.s32 $0xFFFFFFFF  }
0x1d: {  	s4 =	sld [smem:$0x0]  }
0x1e: {  	s5 =	sand.u32 $0xFFFFFFFE, s1  }
0x1f: {  	p0 =	sne.s32 s1, s5  }
0x20: {  	s5 =	sshll.u32 @p0 s5, $0xE  }
0x21: {  	s5 =	sadd.s32 @p0 $0x11B8D, s5;
	s6 =	sshll.u32 @p0 s4, $0x11  }
0x22: {  	s5 =	sor.u32 @p0 s6, s5  }
0x23: {  	[sflag:s5] =	ssyncadd.remote.s32 @p0 $0x1;
	_ =	sdelay $0x1  }
0x24: {  	s5 =	simm.s32 @p0 $0x1B8D  }
0x25: {  	_ =	swait.eq @p0 [sflag:s5], $0x1  }
0x26: {  	[sflag:s5] =	ssyncadd.s32 @p0 $0xFFFFFFFF  }
0x27: {  	s6 =	sshll.u32 @!p0 s1, $0xE  }
0x28: {  	s6 =	sor.u32 @!p0 $0x4000, s6;
	s5 =	simm.s32 @!p0 $0x1B8D  }
0x29: {  	s4 =	sshll.u32 @!p0 s4, $0x11;
	s6 =	sadd.s32 @!p0 $0x11B8D, s6;
	_ =	swait.eq @!p0 [sflag:s5], $0x1  }
0x2a: {  	s4 =	sor.u32 @!p0 s4, s6;
	[sflag:s5] =	ssyncadd.s32 @!p0 $0xFFFFFFFF  }
0x2b: {  	s26 =	simm.s32 $0x1B8E;
	s25 =	sld [smem:$0x3FFE];
	[sflag:s4] =	ssyncadd.remote.s32 @!p0 $0x1  }
0x2c: {  	s27 =	simm.s32 $execute0_lowered;
	[smem:$0x3FD2] =	sst s26  }
0x2d: {  	s5 =	sshll.u32 s27, $0x1;
	_ =	strace $0x8000005B;
	[dreg:$0x1] =	wrdreg $0xFFFFFFFF  }
0x2e: {  	s28 =	simm.s32 $_size_execute0_lowered;
	s3 =	sadd.s32 s3, s5;
	[dreg:$0x0] =	wrdreg $0x0  }
0x2f: {  	s5 =	sshll.u32 s28, $0x1;
	[dreg:$0x2] =	wrdreg s3  }
0x30: {  	[dreg:$0x3] =	wrdreg s5  }
0x31: {  	[dreg:$0x4] =	wrdreg $0xC0  }
0x32: {  	_ =	task [dreg:s23], $0x5FFFF  }
0x33: {  	[dreg:$0x1] =	wrdreg $0xFFFFFFFF  }
0x34: {  	[dreg:$0x0] =	wrdreg $0x60  }
0x35: {  	[dreg:$0x2] =	wrdreg s25  }
0x36: {  	[dreg:$0x3] =	wrdreg $0x9  }
0x37: {  	_ =	task.clear_ibuf [dreg:s23], $0x4FFFF;
	_ =	strace $0x9000005B  }
0x38: {  	s29 =	simm.s32 $0x9;
	_ =	strace $0x8000005D  }
0x39: {  	_ =	swait.ge [sflag:s29], $0x1  }
0x3a: {  	[sflag:s29] =	ssyncadd.s32 $0xFFFFFFFF  }
0x3b: {  	_ =	strace $0x9000005D  }
0x3c: {  	_ =	sfence  }
0x3d: {  	s30 =	sld [smem:$0x0];
	_ =	sdelay $0x2  }
0x3e: {  	s31 =	sshll.u32 s1, $0xD;
	s1 =	sshrl.u32 s1, $0x2  }
0x3f: {  	s4 =	sand.u32 $0x4000, s31;
	s1 =	sadd.s32 s1, s30  }
0x40: {  	s0 =	sor.u32 s4, s0;
	s1 =	sshll.u32 s1, $0x11  }
0x41: {  	s0 =	sor.u32 s1, s0  }
0x42: {  	s0 =	sadd.s32 $0x8F2B, s0  }
0x43: {  	[sflag:s0] =	ssyncadd.remote.s32 $0x1  }
0x44: {  	_ =	sfence.sel $0xFFFF  }
0x45: {  	[dreg:$0x0] =	wrdreg $0xFFFFFFFF;
	(pc) =	sbr.abs _section_cstart, $3  }
0x46: {  	[dreg:$0x1] =	wrdreg $0xFFFFFFFF  }
0x47: {  	_ =	task.clear_ibuf [dreg:s23], $0x2FFFF;
	_ =	strace $0x9FFFFFFF  }
0x48: {  	(tm) =	ssettm $0x7FFFFFFF  }
0x49: {  	_ =	shalt  }
tec
execute0_lowered:
.L_overlay_start_1:
0x0: {  	(tag) =	ssettag $0x1  }
0x1: {  	s0 =	stileid.u32;
	s1 =	srdreg.scid  }
0x2: {  	s4 =	rddreg [dreg:$0x0];
	s7 =	simm.s32 $0x1;
	s31 =	simm.s32 $0x2  }
0x3: {  	s16 =	simm.s32 $0x0;
	s2 =	sshll.u32 s0, $0x4;
	s1 =	sshll.u32 s1, $0x8  }
0x4: {  	s9 =	simm.s32 $0x4000;
	s14 =	simm.s32 $0x0;
	s1 =	sor.u32 s2, s1  }
0x5: {  	s15 =	simm.s32 $0x0;
	s10 =	simm.s32 $0x0;
	s2 =	sand.u32 $0x180, s1  }
0x6: {  	s13 =	simm.s32 $0x0;
	s3 =	sadd.s32 $0x1083000, s4;
	s5 =	ssub.s32 $0x800, s2  }
0x7: {  	s4 =	sadd.s32 $0x1483000, s4;
	s1 =	rddreg [dreg:$0x1];
	s6 =	sand.u32 $0x180, s5  }
.Ltmp0:
0x8: {  	_ =	strace $0x8000005C;
	p0 =	sne.s32 s6, $0x0;
	(pc) =	sbr.rel .LBB1_1-.Ltmp0, $4  }
0x9: {  	s11 =	smov.u32 s2;
	s8 =	sshrl.u32 s5, $0x9;
	s7 =	simm.s32 @!p0 $0x0  }
0xa: {  	s5 =	sand.u32 $0x7, s0;
	s6 =	simm.s32 $0x1;
	s7 =	sadd.s32 s7, s8  }
0xb: {  	s12 =	smov.u32 s5;
	[sflag:s6] =	ssyncpa.u1 $0x0;
	s7 =	sshll.u32 s7, $0x4  }
0xc: {  	p0 =	por $0x0, $0x0;
	[sflag:s31] =	ssyncpa.u1 $0x0;
	s8 =	sor.u32 $0x1, s7  }
.LBB1_4:
0xd: {  	v5 =	vld [tilespmem:s19+$0xFFFFFFD0]  }
0xe: {  	[tilespmem:s20+$0x2040 ss:$0x81] =	vst.msk $0xffff, v1;
	v58 =	vld [tilespmem:s19+$0xFFFFFFE0]  }
0xf: {  	[tilespmem:s20+$0x2850 ss:$0x81] =	vst.msk $0xffff, v2;
	v59 =	vld [tilespmem:s19+$0xFFFFFFF0]  }
0x10: {  	s21 =	sshra.s32 s21, $0x2;
	[tilespmem:s20+$0x3060 ss:$0x81] =	vst.msk $0xffff, v3;
	v60 =	vld [tilespmem:s19+$0x0]  }
0x11: {  	[tilespmem:s20+$0x0 ss:$0x81] =	vst.msk $0xffff, v0;
	v61 =	vld [tilespmem:s19+$0x10];
	s18 =	sadd.s32 s21, s18  }
0x12: {  	s26 =	sshll.u32 s16, $0xB;
	v62 =	vld [tilespmem:s19+$0x20];
	[tilespmem:s18+$0x3870 ss:$0x81] =	vst.msk $0xffff, v4  }
0x13: {  	s27 =	sand.u32 $0x78, s14;
	s22 =	sshll.u32 s14, $0x3;
	v63 =	vld [tilespmem:s19+$0xFFFFFFC0];
	s29 =	sshll.u32 s16, $0x7;
	[tilespmem:s18+$0x810 ss:$0x81] =	vst.msk $0xffff, v5  }
0x14: {  	s15 =	sshll.u32 s15, $0x13;
	s20 =	sand.u32 $0x3FC000, s26;
	s28 =	sand.u32 $0x3FFC00, s22;
	[tilespmem:s18+$0x1020 ss:$0x81] =	vst.msk $0xffff, v58  }
0x15: {  	s31 =	sand.u32 $0x7, s14;
	s22 =	sand.u32 $0x400, s22;
	s19 =	sadd.s32 s28, s20;
	[tilespmem:s18+$0x1830 ss:$0x81] =	vst.msk $0xffff, v59  }
0x16: {  	s16 =	sand.u32 $0x380, s29;
	s30 =	sor.u32 s27, s22;
	s19 =	sshrl.u32 s19, $0x3;
	[tilespmem:s18+$0x2040 ss:$0x81] =	vst.msk $0xffff, v60  }
0x17: {  	s15 =	sadd.s32 s4, s15;
	s16 =	sor.u32 s16, s30;
	s19 =	sand.u32 $0x7FF00, s19;
	[tilespmem:s18+$0x2850 ss:$0x81] =	vst.msk $0xffff, v61  }
0x18: {  	s14 =	sshll.u32 s31, $0x12;
	s16 =	sshrl.u32 s16, $0x3;
	[tilespmem:s18+$0x3060 ss:$0x81] =	vst.msk $0xffff, v62;
	s15 =	sadd.s32 s19, s15  }
0x19: {  	s14 =	sor.u32 $0x400, s14;
	[tilespmem:s18+$0x0 ss:$0x81] =	vst.msk $0xffff, v63;
	s15 =	sadd.s32 s16, s15  }
0x1a: {  	[hbm4b:s15+s14] =	stream.strided.scatter [tilespmem:s17], [sflag:$0x2], $0x4000, s9, s14, $0x20;
	[tilespmem:$0x10100] =	vst v63  }
.LBB1_5:
0x1b: {  	s17 =	sadd.s32 $0x80, s10  }
0x1c: {  	s14 =	sadd.s32 $0x200, s11;
	s18 =	smov.u32 s11;
	p2 =	sgt.s32 s17, $0x7FF  }
0x1d: {  	s18 =	smov.u32 @p2 s14  }
0x1e: {  	s20 =	smov.u32 s12;
	s14 =	sadd.s32 $0x8, s12;
	p3 =	sgt.s32 s18, $0x7FF  }
0x1f: {  	s20 =	smov.u32 @p3 s14  }
0x20: {  	s17 =	simm.s32 @p2 $0x0;
	p2 =	sgt.s32 s20, $0x7  }
0x21: {  	p1 =	slt.u32 s13, $0x2;
	s20 =	smov.u32 @p2 s5;
	p2 =	sne.s32 s13, s8  }
.Ltmp1:
0x22: {  	s19 =	simm.s32 @!p1 $0x2;
	(pc) =	sbr.rel @!p2 .LBB1_6-.Ltmp1, $4  }
0x23: {  	s16 =	smov.u32 s10;
	s15 =	smov.u32 s12;
	_ =	swait.ge @!p1 [sflag:s19], $0x4000  }
0x24: {  	p0 =	por !p0, !p0;
	[sflag:s19] =	ssyncset.done @!p1 $0x0;
	s10 =	smov.u32 s17  }
0x25: {  	s18 =	smov.u32 @p3 s2;
	s14 =	smov.u32 s11;
	[sflag:s19] =	ssyncadd.s32 @!p1 $0xFFFFC000  }
0x26: {  	s11 =	smov.u32 s18;
	s13 =	sadd.s32 $0x1, s13;
	s12 =	smov.u32 s20  }
.LBB1_1:
0x27: {  	p1 =	sge.u32 s13, s7;
	s31 =	sadd.s32 $0xFFFFFFFF, s13  }
0x28: {  	s17 =	sxor.u32 @!p1 $0xFFFFFFFF, s13;
	s18 =	sand.u32 @!p1 $0x78, s10;
	s19 =	sshll.u32 @!p1 s11, $0xB  }
0x29: {  	s20 =	sshll.u32 @!p1 s11, $0x7;
	s21 =	sshll.u32 @!p1 s10, $0x3;
	s17 =	sshll.u32 @!p1 s17, $0xE  }
0x2a: {  	s19 =	sand.u32 @!p1 $0x3FC000, s19;
	s20 =	sand.u32 @!p1 $0x380, s20;
	s17 =	sand.u32 @!p1 $0x4000, s17  }
0x2b: {  	s19 =	sadd.s32 @!p1 s19, s21;
	s21 =	sand.u32 @!p1 $0x400, s21;
	s18 =	sor.u32 @!p1 s20, s18  }
0x2c: {  	s20 =	sshll.u32 @!p1 s12, $0x13;
	s18 =	sor.u32 @!p1 s21, s18;
	s19 =	sshrl.u32 @!p1 s19, $0x3  }
0x2d: {  	s20 =	sadd.s32 @!p1 s3, s20;
	s21 =	sand.u32 @!p1 $0x7, s10;
	s19 =	sand.u32 @!p1 $0x7FF00, s19  }
0x2e: {  	s18 =	sshrl.u32 @!p1 s18, $0x3;
	s19 =	sadd.s32 @!p1 s19, s20;
	s20 =	sshll.u32 @!p1 s21, $0x12  }
0x2f: {  	s18 =	sadd.s32 @!p1 s18, s19;
	s19 =	sor.u32 @!p1 $0x400, s20;
	s20 =	simm.s32 @!p1 $0x4000  }
0x30: {  	[tilespmem:s17], [sflag:$0x1] =	stream.strided.gather @!p1 [hbm4b:s18+s19], $0x4000, s20, s19, $0x38;
	[tilespmem:$0x10100] =	vst v63  }
0x31: {  	p1 =	sge.u32 s31, s7  }
.Ltmp2:
0x32: {  	_ = 	snop;
	(pc) =	sbr.rel @p1 .LBB1_5-.Ltmp2, $1  }
0x33: {  	_ =	sdelay $0x3  }
0x34: {  	s17 =	simm.s32 $0x1  }
0x35: {  	_ =	swait.ge [sflag:s6], $0x4000;
	s17 =	simm.s32 @!p0 $0x0  }
0x36: {  	[sflag:s6] =	ssyncset.done $0x0;
	s18 =	sshll.u32 s17, $0xE  }
0x37: {  	[sflag:s6] =	ssyncadd.s32 $0xFFFFC000;
	s19 =	sor.u32 $0x40, s18  }
0x38: {  	s17 =	smul.u32 $0x10200, s17;
	v0 =	vld [tilespmem:s19+$0x30]  }
0x39: {  	v3 =	vld [tilespmem:s19+$0xFFFFFFD0]  }
0x3a: {  	s17 =	sshrl.u32 s17, $0x2;
	v4 =	vld [tilespmem:s19+$0xFFFFFFE0]  }
0x3b: {  	v5 =	vld [tilespmem:s19+$0xFFFFFFF0];
	s18 =	sor.u32 $0x8000, s17  }
0x3c: {  	s31 =	sand.u32 $0x1, s13;
	v1 =	vld [tilespmem:s19+$0x0];
	s20 =	sadd.s32 $0x0, s18  }
0x3d: {  	v2 =	vld [tilespmem:s19+$0x10];
	s17 =	smul.u32 $0x10200, s31;
	[tilespmem:s20+$0x3870 ss:$0x81] =	vst.msk $0xffff, v0  }
0x3e: {  	[tilespmem:s20+$0x810 ss:$0x81] =	vst.msk $0xffff, v3;
	v3 =	vld [tilespmem:s19+$0x20]  }
0x3f: {  	s17 =	sshrl.u32 s17, $0x2;
	v0 =	vld [tilespmem:s19+$0xFFFFFFC0];
	[tilespmem:s20+$0x1020 ss:$0x81] =	vst.msk $0xffff, v4;
	s19 =	sadd.s32 $0x80, s19  }
0x40: {  	s21 =	simm.s32 $0x4;
	s22 =	simm.s32 $0x8;
	s17 =	sor.u32 $0x8000, s17;
	[tilespmem:s20+$0x1830 ss:$0x81] =	vst.msk $0xffff, v5;
	v4 =	vld [tilespmem:s19+$0x30]  }
.LBB1_3:
0x41: {  	p1 =	sne.s32 s22, $0x1FC;
	v5 =	vld [tilespmem:s19+$0xFFFFFFD0];
	[tilespmem:s20+$0x2040 ss:$0x81] =	vst.msk $0xffff, v1  }
0x42: {  	v6 =	vld [tilespmem:s19+$0xFFFFFFE0];
	[tilespmem:s20+$0x2850 ss:$0x81] =	vst.msk $0xffff, v2  }
0x43: {  	s23 =	sshra.s32 s21, $0x2;
	s21 =	smov.u32 s22;
	v7 =	vld [tilespmem:s19+$0xFFFFFFF0];
	[tilespmem:s20+$0x3060 ss:$0x81] =	vst.msk $0xffff, v3  }
.Ltmp3:
0x44: {  	v1 =	vld [tilespmem:s19+$0x0];
	[tilespmem:s20+$0x0 ss:$0x81] =	vst.msk $0xffff, v0;
	s20 =	sadd.s32 s23, s18;
	(pc) =	sbr.rel @p1 .LBB1_3-.Ltmp3, $4  }
0x45: {  	v2 =	vld [tilespmem:s19+$0x10];
	[tilespmem:s20+$0x3870 ss:$0x81] =	vst.msk $0xffff, v4  }
0x46: {  	[tilespmem:s20+$0x810 ss:$0x81] =	vst.msk $0xffff, v5;
	v3 =	vld [tilespmem:s19+$0x20]  }
0x47: {  	v0 =	vld [tilespmem:s19+$0xFFFFFFC0];
	[tilespmem:s20+$0x1020 ss:$0x81] =	vst.msk $0xffff, v6;
	s19 =	sadd.s32 $0x80, s19  }
0x48: {  	s22 =	sadd.s32 $0x4, s22;
	v4 =	vld [tilespmem:s19+$0x30];
	[tilespmem:s20+$0x1830 ss:$0x81] =	vst.msk $0xffff, v7  }
.Ltmp4:
0x49: {  	_ = 	snop;
	(pc) =	sbr.rel .LBB1_4-.Ltmp4, $1  }
0x4a: {  	_ =	sdelay $0x3  }
.LBB1_6:
0x4b: {  	_ =	sfence.sel $0x180000  }
0x4c: {  	s2 =	simm.s32 $0x1;
	[bflag:$0x0] =	sbarrier.arrive $0xFFFF  }
0x4d: {  	s31 =	simm.s32 $0x2;
	[sflag:s2] =	ssyncpa.u1 $0x1  }
0x4e: {  	[sflag:s31] =	ssyncpa.u1 $0x1  }
0x4f: {  	p0 =	sne.s32 s0, $0x0;
	_ =	strace $0x9000005C  }
0x50: {  	s0 =	sadd.s32 @!p0 $0x100000, s1;
	[bflag:$0x2] =	sbarrier.arrive $0xFFFF  }
0x51: {  	[sflag:s0] =	ssyncadd.tile.s32 @!p0 $0x1;
	_ =	shalt  }
.Lfunc_end1:
_tile_overlayer_lowered:
.L_overlay_start_2:
0x52: {  	(tag) =	ssettag $0x2  }
0x53: {  	s0 =	rddreg [dreg:$0x0];
	s2 =	stileid.u32  }
0x54: {  	s1 =	rddreg [dreg:$0x1];
	p0 =	sne.s32 s2, $0x0  }
0x55: {  	s3 =	rddreg [dreg:$0x2];
	[bflag:$0x3] =	sbarrier.arrive $0xFFFF;
	s2 =	simm.s32 @!p0 $0x1C01  }
0x56: {  	[timem:s3], [sflag:s2] =	dma.local @!p0 [hbm:s0], s1  }
0x57: {  	s0 =	simm.s32 @!p0 $0x1  }
0x58: {  	_ =	swait.ge @!p0 [sflag:s0], s1  }
0x59: {  	s1 =	ssub.s32 @!p0 $0x0, s1;
	[sflag:s0] =	ssyncset.done @!p0 $0x0  }
0x5a: {  	[sflag:s0] =	ssyncadd.s32 @!p0 s1  }
0x5b: {  	[bflag:$0x3] =	sbarrier.arrive $0xFFFF  }
0x5c: {  	_ =	shalt  }

// kernel: sparse-core-data-format-call.2.cloned.1.call-start
scs
called_computation.2_lowered:
.L_overlay_start_0:
0x0: {  	s2 =	sld [smem:$0x3FD9]  }
0x1: {  	s3 =	sld [smem:$0x3FFE];
	_ =	sdelay $0x1  }
0x2: {  	s1 =	srdreg.scid  }
0x3: {  	s0 =	sand.u32 $0x1, s1  }
0x4: {  	s18 =	sshll.u32 s0, $0xA;
	s2 =	sadd.s32 s3, s2  }
0x5: {  	s2 =	sadd.s32 s2, s18  }
0x6: {  	[smem:$0x3FB2] =	sst s2  }
0x7: {  	_ = 	snop  }
0x8: {  	(tm) =	ssettm $0x1  }
0x9: {  	s19 =	sld [smem:$0x3FFB];
	_ =	sdelay $0x3  }
0xa: {  	_ =	strace s19  }
0xb: {  	s2 =	sld [smem:$0x3FFC];
	_ =	sdelay $0x3  }
0xc: {  	_ =	strace s2  }
0xd: {  	s2 =	sld [smem:$0x3FFD];
	_ =	sdelay $0x3  }
0xe: {  	_ =	strace s2  }
0xf: {  	_ =	strace $0x8FFFFFFF  }
0x10: {  	s20 =	sld [smem:$0x3FDB];
	_ =	sdelay $0x1  }
0x11: {  	s21 =	simm.s32 $_scs_section_size  }
0x12: {  	s4 =	simm.s32 $_size__tile_overlayer_lowered;
	s5 =	simm.s32 $_tile_overlayer_lowered  }
0x13: {  	s6 =	simm.s32 $0x1BFF;
	s22 =	sshll.u32 s5, $0x1;
	s3 =	sadd.s32 s21, s20  }
0x14: {  	s23 =	simm.s32 $0x0;
	s4 =	sshll.u32 s4, $0x1;
	s5 =	sadd.s32 s22, s3  }
0x15: {  	[timem:s23], [sflag:s6] =	dma.local [hbm:s5], s4  }
0x16: {  	_ =	swait.ge [sflag:s6], s4  }
0x17: {  	s4 =	ssub.s32 $0x0, s4;
	[sflag:s6] =	ssyncset.done $0x0  }
0x18: {  	[sflag:s6] =	ssyncadd.s32 s4;
	_ =	sdelay $0x1  }
0x19: {  	s24 =	simm.s32 $0x1B8B  }
0x1a: {  	_ =	swait.ge [sflag:s24], $0x1  }
0x1b: {  	[sflag:s24] =	ssyncset.done $0x0  }
0x1c: {  	[sflag:s24] =	ssyncadd.s32 $0xFFFFFFFF  }
0x1d: {  	s4 =	sld [smem:$0x0]  }
0x1e: {  	s5 =	sand.u32 $0xFFFFFFFE, s1  }
0x1f: {  	p0 =	sne.s32 s1, s5  }
0x20: {  	s5 =	sshll.u32 @p0 s5, $0xE  }
0x21: {  	s5 =	sadd.s32 @p0 $0x11B8D, s5;
	s6 =	sshll.u32 @p0 s4, $0x11  }
0x22: {  	s5 =	sor.u32 @p0 s6, s5  }
0x23: {  	[sflag:s5] =	ssyncadd.remote.s32 @p0 $0x1;
	_ =	sdelay $0x1  }
0x24: {  	s5 =	simm.s32 @p0 $0x1B8D  }
0x25: {  	_ =	swait.eq @p0 [sflag:s5], $0x1  }
0x26: {  	[sflag:s5] =	ssyncadd.s32 @p0 $0xFFFFFFFF  }
0x27: {  	s6 =	sshll.u32 @!p0 s1, $0xE  }
0x28: {  	s6 =	sor.u32 @!p0 $0x4000, s6;
	s5 =	simm.s32 @!p0 $0x1B8D  }
0x29: {  	s4 =	sshll.u32 @!p0 s4, $0x11;
	s6 =	sadd.s32 @!p0 $0x11B8D, s6;
	_ =	swait.eq @!p0 [sflag:s5], $0x1  }
0x2a: {  	s4 =	sor.u32 @!p0 s4, s6;
	[sflag:s5] =	ssyncadd.s32 @!p0 $0xFFFFFFFF  }
0x2b: {  	s26 =	simm.s32 $0x1B8E;
	s25 =	sld [smem:$0x3FFE];
	[sflag:s4] =	ssyncadd.remote.s32 @!p0 $0x1  }
0x2c: {  	s27 =	simm.s32 $execute0_lowered;
	[smem:$0x3FD2] =	sst s26  }
0x2d: {  	s5 =	sshll.u32 s27, $0x1;
	_ =	strace $0x8000005E;
	[dreg:$0x1] =	wrdreg $0xFFFFFFFF  }
0x2e: {  	s28 =	simm.s32 $_size_execute0_lowered;
	s3 =	sadd.s32 s3, s5;
	[dreg:$0x0] =	wrdreg $0x0  }
0x2f: {  	s5 =	sshll.u32 s28, $0x1;
	[dreg:$0x2] =	wrdreg s3  }
0x30: {  	[dreg:$0x3] =	wrdreg s5  }
0x31: {  	[dreg:$0x4] =	wrdreg $0xC0  }
0x32: {  	_ =	task [dreg:s23], $0x5FFFF  }
0x33: {  	[dreg:$0x1] =	wrdreg $0xFFFFFFFF  }
0x34: {  	[dreg:$0x0] =	wrdreg $0x60  }
0x35: {  	[dreg:$0x2] =	wrdreg s25  }
0x36: {  	[dreg:$0x3] =	wrdreg $0xA  }
0x37: {  	_ =	task.clear_ibuf [dreg:s23], $0x4FFFF;
	_ =	strace $0x9000005E  }
0x38: {  	s29 =	simm.s32 $0xA;
	_ =	strace $0x80000060  }
0x39: {  	_ =	swait.ge [sflag:s29], $0x1  }
0x3a: {  	[sflag:s29] =	ssyncadd.s32 $0xFFFFFFFF  }
0x3b: {  	_ =	strace $0x90000060  }
0x3c: {  	_ =	sfence  }
0x3d: {  	s30 =	sld [smem:$0x0];
	_ =	sdelay $0x2  }
0x3e: {  	s31 =	sshll.u32 s1, $0xD;
	s1 =	sshrl.u32 s1, $0x2  }
0x3f: {  	s4 =	sand.u32 $0x4000, s31;
	s1 =	sadd.s32 s1, s30  }
0x40: {  	s0 =	sor.u32 s4, s0;
	s1 =	sshll.u32 s1, $0x11  }
0x41: {  	s0 =	sor.u32 s1, s0  }
0x42: {  	s0 =	sadd.s32 $0x8F2B, s0  }
0x43: {  	[sflag:s0] =	ssyncadd.remote.s32 $0x1  }
0x44: {  	_ =	sfence.sel $0xFFFF  }
0x45: {  	[dreg:$0x0] =	wrdreg $0xFFFFFFFF;
	(pc) =	sbr.abs _section_cstart, $3  }
0x46: {  	[dreg:$0x1] =	wrdreg $0xFFFFFFFF  }
0x47: {  	_ =	task.clear_ibuf [dreg:s23], $0x2FFFF;
	_ =	strace $0x9FFFFFFF  }
0x48: {  	(tm) =	ssettm $0x7FFFFFFF  }
0x49: {  	_ =	shalt  }
tec
execute0_lowered:
.L_overlay_start_1:
0x0: {  	(tag) =	ssettag $0x1  }
0x1: {  	s0 =	stileid.u32  }
0x2: {  	s1 =	srdreg.scid;
	s4 =	rddreg [dreg:$0x0]  }
0x3: {  	s7 =	simm.s32 $0x1;
	s8 =	simm.s32 $0x2;
	s17 =	simm.s32 $0x0  }
0x4: {  	s9 =	simm.s32 $0x10000;
	s2 =	sshll.u32 s0, $0x4;
	s1 =	sshll.u32 s1, $0x8  }
0x5: {  	s16 =	simm.s32 $0x0;
	s15 =	simm.s32 $0x0;
	s1 =	sor.u32 s2, s1  }
0x6: {  	s18 =	simm.s32 $0x0;
	s10 =	simm.s32 $0x0;
	s2 =	sand.u32 $0x180, s1  }
0x7: {  	s11 =	simm.s32 $0x0;
	s14 =	simm.s32 $0x0;
	s6 =	ssub.s32 $0x800, s2  }
0x8: {  	s3 =	sadd.s32 $0x401000, s4;
	s4 =	sadd.s32 $0xDA1000, s4;
	s5 =	sand.u32 $0x180, s6  }
.Ltmp0:
0x9: {  	s1 =	rddreg [dreg:$0x1];
	p0 =	sne.s32 s5, $0x0;
	(pc) =	sbr.rel .LBB1_1-.Ltmp0, $4  }
0xa: {  	_ =	strace $0x8000005F;
	s6 =	sshrl.u32 s6, $0x9;
	s7 =	simm.s32 @!p0 $0x0  }
0xb: {  	s12 =	smov.u32 s2;
	s5 =	simm.s32 $0x1;
	s7 =	sadd.s32 s7, s6  }
0xc: {  	[sflag:s5] =	ssyncpa.u1 $0x0;
	s6 =	sand.u32 $0x7, s0;
	s7 =	sshll.u32 s7, $0x2  }
0xd: {  	[sflag:s8] =	ssyncpa.u1 $0x0;
	s13 =	smov.u32 s6;
	s8 =	sor.u32 $0x1, s7  }
.LBB1_7:
0xe: {  	s19 =	sadd.s32 $0x8, s10  }
0xf: {  	s15 =	sadd.s32 $0x10, s11;
	s20 =	smov.u32 s11;
	p1 =	sgt.s32 s19, $0x1F  }
0x10: {  	s20 =	smov.u32 @p1 s15  }
0x11: {  	s21 =	smov.u32 s12;
	s15 =	sadd.s32 $0x200, s12;
	p2 =	sgt.s32 s20, $0xF  }
0x12: {  	s21 =	smov.u32 @p2 s15  }
0x13: {  	s22 =	smov.u32 s13;
	s15 =	sadd.s32 $0x8, s13;
	p3 =	sgt.s32 s21, $0x7FF  }
0x14: {  	s22 =	smov.u32 @p3 s15  }
0x15: {  	p0 =	slt.u32 s14, $0x2;
	s19 =	simm.s32 @p1 $0x0;
	p1 =	sgt.s32 s22, $0x7  }
0x16: {  	s23 =	simm.s32 @!p0 $0x2;
	s22 =	smov.u32 @p1 s6;
	p1 =	sne.s32 s14, s8  }
.Ltmp1:
0x17: {  	s17 =	smov.u32 s10;
	_ =	swait.ge @!p0 [sflag:s23], $0x4000;
	(pc) =	sbr.rel @!p1 .LBB1_8-.Ltmp1, $4  }
0x18: {  	s16 =	smov.u32 s11;
	s18 =	smov.u32 s13;
	[sflag:s23] =	ssyncset.done @!p0 $0x0  }
0x19: {  	s10 =	smov.u32 s19;
	s20 =	simm.s32 @p2 $0x0;
	[sflag:s23] =	ssyncadd.s32 @!p0 $0xFFFFC000  }
0x1a: {  	s11 =	smov.u32 s20;
	s21 =	smov.u32 @p3 s2;
	s15 =	smov.u32 s12  }
0x1b: {  	s12 =	smov.u32 s21;
	s14 =	sadd.s32 $0x1, s14;
	s13 =	smov.u32 s22  }
.LBB1_1:
0x1c: {  	p0 =	sge.u32 s14, s7;
	s31 =	sadd.s32 $0xFFFFFFFF, s14  }
0x1d: {  	s19 =	sshll.u32 @!p0 s11, $0x7;
	s20 =	sshll.u32 @!p0 s10, $0x3;
	s22 =	sxor.u32 @!p0 $0xFFFFFFFF, s14  }
0x1e: {  	s23 =	sshrl.u32 @!p0 s10, $0x3;
	s21 =	sand.u32 @!p0 $0x400, s19;
	s20 =	sand.u32 @!p0 $0x400, s20  }
0x1f: {  	s19 =	sand.u32 @!p0 $0x380, s19;
	s20 =	sadd.s32 @!p0 s21, s20;
	s21 =	sshll.u32 @!p0 s22, $0xE  }
0x20: {  	s19 =	sor.u32 @!p0 s19, s20;
	s20 =	sand.u32 @!p0 $0x4000, s21;
	s21 =	sshll.u32 @!p0 s13, $0x13  }
0x21: {  	s23 =	sand.u32 @!p0 $0xF, s23;
	s22 =	sshll.u32 @!p0 s12, $0x8;
	s21 =	sadd.s32 @!p0 s3, s21  }
0x22: {  	s19 =	sshrl.u32 @!p0 s19, $0x3;
	s21 =	sadd.s32 @!p0 s22, s21;
	s22 =	sand.u32 @!p0 $0x7, s10  }
0x23: {  	s19 =	sand.u32 @!p0 $0xF0, s19;
	s21 =	sadd.s32 @!p0 s23, s21;
	s22 =	sshll.u32 @!p0 s22, $0x12  }
0x24: {  	s19 =	sadd.s32 @!p0 s19, s21;
	s21 =	sor.u32 @!p0 $0x8, s22;
	s22 =	simm.s32 @!p0 $0x80  }
0x25: {  	[tilespmem:s20], [sflag:$0x1] =	stream.strided.gather @!p0 [hbm4b:s19+s21], $0x4000, s22, s21, $0x38;
	[tilespmem:$0x10100] =	vst v63  }
0x26: {  	p0 =	sge.u32 s31, s7  }
.Ltmp2:
0x27: {  	_ = 	snop;
	(pc) =	sbr.rel @p0 .LBB1_7-.Ltmp2, $1  }
0x28: {  	_ =	sdelay $0x3  }
0x29: {  	s19 =	sand.u32 $0x1, s14  }
0x2a: {  	_ =	swait.ge [sflag:s5], $0x4000;
	s20 =	smul.u32 $0x10200, s19  }
0x2b: {  	[sflag:s5] =	ssyncset.done $0x0  }
0x2c: {  	[sflag:s5] =	ssyncadd.s32 $0xFFFFC000;
	s21 =	sshrl.u32 s20, $0x2  }
0x2d: {  	s20 =	sshll.u32 s19, $0xE;
	s19 =	sor.u32 $0x8000, s21;
	s21 =	simm.s32 $0x0  }
.LBB1_3:
0x2e: {  	s22 =	sshll.u32 s21, $0x7  }
0x2f: {  	s22 =	sand.u32 $0x3FFFFF80, s22  }
0x30: {  	s22 =	sadd.s32 s22, s20  }
0x31: {  	v0 =	vmov s22;
	_ =	sdelay $0x1  }
0x32: {  	p0 =	por $0x1, $0x1;
	s22 =	simm.s32 $0x0  }
.LBB1_4:
0x33: {  	s23 =	sshll.u32 s22, $0x3  }
0x34: {  	s23 =	sand.u32 $0x3FFFFFF8, s23  }
0x35: {  	s31 =	smul.u32 $0x1020, s22;
	v1 =	vld.idx.msk [tilespmem:v0+s23+$0x0 ss:$0x1], $0xff;
	_ =	sdelay $0x1  }
0x36: {  	s22 =	sshra.s32 s31, $0x2  }
0x37: {  	s22 =	sadd.s32 s22, s19  }
0x38: {  	s22 =	sadd.s32 s21, s22  }
0x39: {  	[tilespmem:s22+$0x0 ss:$0x81] =	vst.msk $0xff, v1  }
0x3a: {  	v1 =	vld.idx.msk [tilespmem:v0+s23+$0x8 ss:$0x1], $0xff;
	_ =	sdelay $0x4  }
0x3b: {  	[tilespmem:s22+$0x408 ss:$0x81] =	vst.msk $0xff, v1  }
0x3c: {  	v1 =	vld.idx.msk [tilespmem:v0+s23+$0x10 ss:$0x1], $0xff;
	_ =	sdelay $0x4  }
0x3d: {  	[tilespmem:s22+$0x810 ss:$0x81] =	vst.msk $0xff, v1  }
0x3e: {  	v1 =	vld.idx.msk [tilespmem:v0+s23+$0x18 ss:$0x1], $0xff;
	_ =	sdelay $0x4  }
0x3f: {  	[tilespmem:s22+$0xC18 ss:$0x81] =	vst.msk $0xff, v1  }
0x40: {  	v1 =	vld.idx.msk [tilespmem:v0+s23+$0x20 ss:$0x1], $0xff;
	_ =	sdelay $0x4  }
0x41: {  	[tilespmem:s22+$0x1020 ss:$0x81] =	vst.msk $0xff, v1  }
0x42: {  	v1 =	vld.idx.msk [tilespmem:v0+s23+$0x28 ss:$0x1], $0xff;
	_ =	sdelay $0x4  }
0x43: {  	[tilespmem:s22+$0x1428 ss:$0x81] =	vst.msk $0xff, v1  }
0x44: {  	v1 =	vld.idx.msk [tilespmem:v0+s23+$0x30 ss:$0x1], $0xff;
	_ =	sdelay $0x4  }
0x45: {  	[tilespmem:s22+$0x1830 ss:$0x81] =	vst.msk $0xff, v1  }
0x46: {  	p1 =	por p0, p0;
	v1 =	vld.idx.msk [tilespmem:v0+s23+$0x38 ss:$0x1], $0xff  }
.Ltmp3:
0x47: {  	_ = 	snop;
	(pc) =	sbr.rel @p1 .LBB1_4-.Ltmp3, $2  }
0x48: {  	_ =	sdelay $0x2  }
0x49: {  	p0 =	por $0x0, $0x0;
	[tilespmem:s22+$0x1C38 ss:$0x81] =	vst.msk $0xff, v1;
	s22 =	simm.s32 $0x8  }
0x4a: {  	s21 =	sadd.s32 $0x1, s21  }
0x4b: {  	p0 =	sne.s32 s21, $0x80  }
.Ltmp4:
0x4c: {  	_ = 	snop;
	(pc) =	sbr.rel @p0 .LBB1_3-.Ltmp4, $1  }
0x4d: {  	_ =	sdelay $0x3  }
0x4e: {  	s20 =	sand.u32 $0x78, s15  }
0x4f: {  	s21 =	sshll.u32 s17, $0xB;
	s22 =	sshll.u32 s15, $0x3;
	s29 =	sshll.u32 s17, $0x7  }
0x50: {  	s18 =	sshll.u32 s18, $0x11;
	s16 =	sshll.u32 s16, $0xD;
	s31 =	sand.u32 $0x7, s15  }
0x51: {  	s21 =	sand.u32 $0xC000, s21;
	s23 =	sand.u32 $0x400, s22;
	s22 =	sand.u32 $0xFC00, s22  }
0x52: {  	s17 =	sand.u32 $0x380, s29;
	s18 =	sadd.s32 s4, s18;
	s21 =	sadd.s32 s22, s21  }
.Ltmp5:
0x53: {  	s20 =	sor.u32 s20, s23;
	s30 =	sshrl.u32 s21, $0x3;
	(pc) =	sbr.rel .LBB1_7-.Ltmp5, $4  }
0x54: {  	s16 =	sadd.s32 s16, s18;
	s17 =	sor.u32 s17, s20;
	s20 =	sand.u32 $0x1F00, s30  }
0x55: {  	s15 =	sshll.u32 s31, $0x12;
	s17 =	sshrl.u32 s17, $0x3;
	s16 =	sadd.s32 s20, s16  }
0x56: {  	s15 =	sor.u32 $0x400, s15;
	s16 =	sadd.s32 s17, s16  }
0x57: {  	[hbm4b:s16+s15] =	stream.strided.scatter [tilespmem:s19], [sflag:$0x2], $0x4000, s9, s15, $0x20;
	[tilespmem:$0x10100] =	vst v63  }
.LBB1_8:
0x58: {  	_ =	sfence.sel $0x180000  }
0x59: {  	s2 =	simm.s32 $0x1;
	[bflag:$0x0] =	sbarrier.arrive $0xFFFF  }
0x5a: {  	s31 =	simm.s32 $0x2;
	[sflag:s2] =	ssyncpa.u1 $0x1  }
0x5b: {  	[sflag:s31] =	ssyncpa.u1 $0x1  }
0x5c: {  	p0 =	sne.s32 s0, $0x0;
	_ =	strace $0x9000005F  }
0x5d: {  	s0 =	sadd.s32 @!p0 $0x100000, s1;
	[bflag:$0x2] =	sbarrier.arrive $0xFFFF  }
0x5e: {  	[sflag:s0] =	ssyncadd.tile.s32 @!p0 $0x1;
	_ =	shalt  }
.Lfunc_end1:
_tile_overlayer_lowered:
.L_overlay_start_2:
0x5f: {  	(tag) =	ssettag $0x2  }
0x60: {  	s0 =	rddreg [dreg:$0x0];
	s2 =	stileid.u32  }
0x61: {  	s1 =	rddreg [dreg:$0x1];
	p0 =	sne.s32 s2, $0x0  }
0x62: {  	s3 =	rddreg [dreg:$0x2];
	[bflag:$0x3] =	sbarrier.arrive $0xFFFF;
	s2 =	simm.s32 @!p0 $0x1C01  }
0x63: {  	[timem:s3], [sflag:s2] =	dma.local @!p0 [hbm:s0], s1  }
0x64: {  	s0 =	simm.s32 @!p0 $0x1  }
0x65: {  	_ =	swait.ge @!p0 [sflag:s0], s1  }
0x66: {  	s1 =	ssub.s32 @!p0 $0x0, s1;
	[sflag:s0] =	ssyncset.done @!p0 $0x0  }
0x67: {  	[sflag:s0] =	ssyncadd.s32 @!p0 s1  }
0x68: {  	[bflag:$0x3] =	sbarrier.arrive $0xFFFF  }
0x69: {  	_ =	shalt  }

// kernel: sparse-core-data-format-call.3.cloned.1.call-start
scs
called_computation.3_lowered:
.L_overlay_start_0:
0x0: {  	s1 =	sld [smem:$0x3FD9]  }
0x1: {  	s2 =	sld [smem:$0x3FFE];
	_ =	sdelay $0x1  }
0x2: {  	s3 =	srdreg.scid  }
0x3: {  	s0 =	sand.u32 $0x1, s3  }
0x4: {  	s17 =	sshll.u32 s0, $0xA;
	s1 =	sadd.s32 s2, s1  }
0x5: {  	s1 =	sadd.s32 s1, s17  }
0x6: {  	[smem:$0x3FB2] =	sst s1  }
0x7: {  	_ = 	snop  }
0x8: {  	(tm) =	ssettm $0x1  }
0x9: {  	s18 =	sld [smem:$0x3FFB];
	_ =	sdelay $0x3  }
0xa: {  	_ =	strace s18  }
0xb: {  	s1 =	sld [smem:$0x3FFC];
	_ =	sdelay $0x3  }
0xc: {  	_ =	strace s1  }
0xd: {  	s1 =	sld [smem:$0x3FFD];
	_ =	sdelay $0x3  }
0xe: {  	_ =	strace s1  }
0xf: {  	_ =	strace $0x8FFFFFFF  }
0x10: {  	s19 =	sld [smem:$0x3FDB];
	_ =	sdelay $0x1  }
0x11: {  	s20 =	simm.s32 $_scs_section_size  }
0x12: {  	s4 =	simm.s32 $_size__tile_overlayer_lowered;
	s5 =	simm.s32 $_tile_overlayer_lowered  }
0x13: {  	s23 =	simm.s32 $0x1BFF;
	s22 =	sshll.u32 s5, $0x1;
	s1 =	sadd.s32 s20, s19  }
0x14: {  	s6 =	simm.s32 $0x0;
	s21 =	sshll.u32 s4, $0x1;
	s4 =	sadd.s32 s22, s1  }
0x15: {  	[timem:s6], [sflag:s23] =	dma.local [hbm:s4], s21  }
0x16: {  	_ =	swait.ge [sflag:s23], s21  }
0x17: {  	s2 =	ssub.s32 $0x0, s21;
	[sflag:s23] =	ssyncset.done $0x0  }
0x18: {  	[sflag:s23] =	ssyncadd.s32 s2;
	_ =	sdelay $0x1  }
0x19: {  	s24 =	simm.s32 $0x1B8B  }
0x1a: {  	_ =	swait.ge [sflag:s24], $0x1  }
0x1b: {  	[sflag:s24] =	ssyncset.done $0x0  }
0x1c: {  	s26 =	simm.s32 $0x1B8E;
	s25 =	sld [smem:$0x3FFE];
	[sflag:s24] =	ssyncadd.s32 $0xFFFFFFFF  }
0x1d: {  	s27 =	simm.s32 $execute0_lowered;
	[smem:$0x3FD2] =	sst s26  }
0x1e: {  	s4 =	sshll.u32 s27, $0x1;
	_ =	strace $0x80000058;
	[dreg:$0x1] =	wrdreg $0xFFFFFFFF  }
0x1f: {  	s28 =	simm.s32 $_size_execute0_lowered;
	s1 =	sadd.s32 s1, s4;
	[dreg:$0x0] =	wrdreg $0x0  }
0x20: {  	s4 =	sshll.u32 s28, $0x1;
	[dreg:$0x2] =	wrdreg s1  }
0x21: {  	[dreg:$0x3] =	wrdreg s4  }
0x22: {  	[dreg:$0x4] =	wrdreg $0xC0  }
0x23: {  	_ =	task [dreg:s6], $0x5FFFF  }
0x24: {  	[dreg:$0x1] =	wrdreg $0xFFFFFFFF  }
0x25: {  	[dreg:$0x0] =	wrdreg $0x60  }
0x26: {  	[dreg:$0x2] =	wrdreg s25  }
0x27: {  	[dreg:$0x3] =	wrdreg $0xA  }
0x28: {  	_ =	task.clear_ibuf [dreg:s6], $0x4FFFF;
	_ =	strace $0x90000058  }
0x29: {  	s29 =	simm.s32 $0xA;
	_ =	strace $0x8000005A  }
0x2a: {  	_ =	swait.ge [sflag:s29], $0x1  }
0x2b: {  	[sflag:s29] =	ssyncadd.s32 $0xFFFFFFFF  }
0x2c: {  	_ =	strace $0x9000005A  }
0x2d: {  	_ =	sfence  }
0x2e: {  	s30 =	sld [smem:$0x0];
	_ =	sdelay $0x2  }
0x2f: {  	s31 =	sshll.u32 s3, $0xD;
	s3 =	sshrl.u32 s3, $0x2  }
0x30: {  	s2 =	sand.u32 $0x4000, s31;
	s1 =	sadd.s32 s3, s30  }
0x31: {  	s0 =	sor.u32 s2, s0;
	s1 =	sshll.u32 s1, $0x11  }
0x32: {  	s0 =	sor.u32 s1, s0  }
0x33: {  	s0 =	sadd.s32 $0x8F2B, s0  }
0x34: {  	[sflag:s0] =	ssyncadd.remote.s32 $0x1  }
0x35: {  	_ =	sfence.sel $0xFFFF  }
0x36: {  	[dreg:$0x0] =	wrdreg $0xFFFFFFFF;
	(pc) =	sbr.abs _section_cstart, $3  }
0x37: {  	[dreg:$0x1] =	wrdreg $0xFFFFFFFF  }
0x38: {  	_ =	task.clear_ibuf [dreg:s6], $0x2FFFF;
	_ =	strace $0x9FFFFFFF  }
0x39: {  	(tm) =	ssettm $0x7FFFFFFF  }
tec
execute0_lowered:
.L_overlay_start_1:
0x0: {  	(tag) =	ssettag $0x1  }
0x1: {  	s0 =	stileid.u32;
	s1 =	srdreg.scid  }
0x2: {  	s4 =	rddreg [dreg:$0x0];
	s7 =	simm.s32 $0x1;
	s31 =	simm.s32 $0x2  }
0x3: {  	s16 =	simm.s32 $0x0;
	s2 =	sshll.u32 s0, $0x4;
	s1 =	sshll.u32 s1, $0x8  }
0x4: {  	s9 =	simm.s32 $0x4000;
	s14 =	simm.s32 $0x0;
	s1 =	sor.u32 s2, s1  }
0x5: {  	s15 =	simm.s32 $0x0;
	s10 =	simm.s32 $0x0;
	s2 =	sand.u32 $0x180, s1  }
0x6: {  	s13 =	simm.s32 $0x0;
	s3 =	sadd.s32 $0x401000, s4;
	s5 =	ssub.s32 $0x800, s2  }
0x7: {  	s4 =	sadd.s32 $0x801000, s4;
	s1 =	rddreg [dreg:$0x1];
	s6 =	sand.u32 $0x180, s5  }
.Ltmp0:
0x8: {  	_ =	strace $0x80000059;
	p0 =	sne.s32 s6, $0x0;
	(pc) =	sbr.rel .LBB1_1-.Ltmp0, $4  }
0x9: {  	s11 =	smov.u32 s2;
	s8 =	sshrl.u32 s5, $0x9;
	s7 =	simm.s32 @!p0 $0x0  }
0xa: {  	s5 =	sand.u32 $0x7, s0;
	s6 =	simm.s32 $0x1;
	s7 =	sadd.s32 s7, s8  }
0xb: {  	s12 =	smov.u32 s5;
	[sflag:s6] =	ssyncpa.u1 $0x0;
	s7 =	sshll.u32 s7, $0x4  }
0xc: {  	p0 =	por $0x0, $0x0;
	[sflag:s31] =	ssyncpa.u1 $0x0;
	s8 =	sor.u32 $0x1, s7  }
.LBB1_4:
0xd: {  	v5 =	vld [tilespmem:s19+$0xFFFFFFD0]  }
0xe: {  	[tilespmem:s20+$0x2040 ss:$0x81] =	vst.msk $0xffff, v1;
	v58 =	vld [tilespmem:s19+$0xFFFFFFE0]  }
0xf: {  	[tilespmem:s20+$0x2850 ss:$0x81] =	vst.msk $0xffff, v2;
	v59 =	vld [tilespmem:s19+$0xFFFFFFF0]  }
0x10: {  	s21 =	sshra.s32 s21, $0x2;
	[tilespmem:s20+$0x3060 ss:$0x81] =	vst.msk $0xffff, v3;
	v60 =	vld [tilespmem:s19+$0x0]  }
0x11: {  	[tilespmem:s20+$0x0 ss:$0x81] =	vst.msk $0xffff, v0;
	v61 =	vld [tilespmem:s19+$0x10];
	s18 =	sadd.s32 s21, s18  }
0x12: {  	s26 =	sshll.u32 s16, $0xB;
	v62 =	vld [tilespmem:s19+$0x20];
	[tilespmem:s18+$0x3870 ss:$0x81] =	vst.msk $0xffff, v4  }
0x13: {  	s27 =	sand.u32 $0x78, s14;
	s22 =	sshll.u32 s14, $0x3;
	v63 =	vld [tilespmem:s19+$0xFFFFFFC0];
	s29 =	sshll.u32 s16, $0x7;
	[tilespmem:s18+$0x810 ss:$0x81] =	vst.msk $0xffff, v5  }
0x14: {  	s15 =	sshll.u32 s15, $0x13;
	s20 =	sand.u32 $0x3FC000, s26;
	s28 =	sand.u32 $0x3FFC00, s22;
	[tilespmem:s18+$0x1020 ss:$0x81] =	vst.msk $0xffff, v58  }
0x15: {  	s31 =	sand.u32 $0x7, s14;
	s22 =	sand.u32 $0x400, s22;
	s19 =	sadd.s32 s28, s20;
	[tilespmem:s18+$0x1830 ss:$0x81] =	vst.msk $0xffff, v59  }
0x16: {  	s16 =	sand.u32 $0x380, s29;
	s30 =	sor.u32 s27, s22;
	s19 =	sshrl.u32 s19, $0x3;
	[tilespmem:s18+$0x2040 ss:$0x81] =	vst.msk $0xffff, v60  }
0x17: {  	s15 =	sadd.s32 s4, s15;
	s16 =	sor.u32 s16, s30;
	s19 =	sand.u32 $0x7FF00, s19;
	[tilespmem:s18+$0x2850 ss:$0x81] =	vst.msk $0xffff, v61  }
0x18: {  	s14 =	sshll.u32 s31, $0x12;
	s16 =	sshrl.u32 s16, $0x3;
	[tilespmem:s18+$0x3060 ss:$0x81] =	vst.msk $0xffff, v62;
	s15 =	sadd.s32 s19, s15  }
0x19: {  	s14 =	sor.u32 $0x400, s14;
	[tilespmem:s18+$0x0 ss:$0x81] =	vst.msk $0xffff, v63;
	s15 =	sadd.s32 s16, s15  }
0x1a: {  	[hbm4b:s15+s14] =	stream.strided.scatter [tilespmem:s17], [sflag:$0x2], $0x4000, s9, s14, $0x20;
	[tilespmem:$0x10100] =	vst v63  }
.LBB1_5:
0x1b: {  	s17 =	sadd.s32 $0x80, s10  }
0x1c: {  	s14 =	sadd.s32 $0x200, s11;
	s18 =	smov.u32 s11;
	p2 =	sgt.s32 s17, $0x7FF  }
0x1d: {  	s18 =	smov.u32 @p2 s14  }
0x1e: {  	s20 =	smov.u32 s12;
	s14 =	sadd.s32 $0x8, s12;
	p3 =	sgt.s32 s18, $0x7FF  }
0x1f: {  	s20 =	smov.u32 @p3 s14  }
0x20: {  	s17 =	simm.s32 @p2 $0x0;
	p2 =	sgt.s32 s20, $0x7  }
0x21: {  	p1 =	slt.u32 s13, $0x2;
	s20 =	smov.u32 @p2 s5;
	p2 =	sne.s32 s13, s8  }
.Ltmp1:
0x22: {  	s19 =	simm.s32 @!p1 $0x2;
	(pc) =	sbr.rel @!p2 .LBB1_6-.Ltmp1, $4  }
0x23: {  	s16 =	smov.u32 s10;
	s15 =	smov.u32 s12;
	_ =	swait.ge @!p1 [sflag:s19], $0x4000  }
0x24: {  	p0 =	por !p0, !p0;
	[sflag:s19] =	ssyncset.done @!p1 $0x0;
	s10 =	smov.u32 s17  }
0x25: {  	s18 =	smov.u32 @p3 s2;
	s14 =	smov.u32 s11;
	[sflag:s19] =	ssyncadd.s32 @!p1 $0xFFFFC000  }
0x26: {  	s11 =	smov.u32 s18;
	s13 =	sadd.s32 $0x1, s13;
	s12 =	smov.u32 s20  }
.LBB1_1:
0x27: {  	p1 =	sge.u32 s13, s7;
	s31 =	sadd.s32 $0xFFFFFFFF, s13  }
0x28: {  	s17 =	sxor.u32 @!p1 $0xFFFFFFFF, s13;
	s18 =	sand.u32 @!p1 $0x78, s10;
	s19 =	sshll.u32 @!p1 s11, $0xB  }
0x29: {  	s20 =	sshll.u32 @!p1 s11, $0x7;
	s21 =	sshll.u32 @!p1 s10, $0x3;
	s17 =	sshll.u32 @!p1 s17, $0xE  }
0x2a: {  	s19 =	sand.u32 @!p1 $0x3FC000, s19;
	s20 =	sand.u32 @!p1 $0x380, s20;
	s17 =	sand.u32 @!p1 $0x4000, s17  }
0x2b: {  	s19 =	sadd.s32 @!p1 s19, s21;
	s21 =	sand.u32 @!p1 $0x400, s21;
	s18 =	sor.u32 @!p1 s20, s18  }
0x2c: {  	s20 =	sshll.u32 @!p1 s12, $0x13;
	s18 =	sor.u32 @!p1 s21, s18;
	s19 =	sshrl.u32 @!p1 s19, $0x3  }
0x2d: {  	s20 =	sadd.s32 @!p1 s3, s20;
	s21 =	sand.u32 @!p1 $0x7, s10;
	s19 =	sand.u32 @!p1 $0x7FF00, s19  }
0x2e: {  	s18 =	sshrl.u32 @!p1 s18, $0x3;
	s19 =	sadd.s32 @!p1 s19, s20;
	s20 =	sshll.u32 @!p1 s21, $0x12  }
0x2f: {  	s18 =	sadd.s32 @!p1 s18, s19;
	s19 =	sor.u32 @!p1 $0x400, s20;
	s20 =	simm.s32 @!p1 $0x4000  }
0x30: {  	[tilespmem:s17], [sflag:$0x1] =	stream.strided.gather @!p1 [hbm4b:s18+s19], $0x4000, s20, s19, $0x38;
	[tilespmem:$0x10100] =	vst v63  }
0x31: {  	p1 =	sge.u32 s31, s7  }
.Ltmp2:
0x32: {  	_ = 	snop;
	(pc) =	sbr.rel @p1 .LBB1_5-.Ltmp2, $1  }
0x33: {  	_ =	sdelay $0x3  }
0x34: {  	s17 =	simm.s32 $0x1  }
0x35: {  	_ =	swait.ge [sflag:s6], $0x4000;
	s17 =	simm.s32 @!p0 $0x0  }
0x36: {  	[sflag:s6] =	ssyncset.done $0x0;
	s18 =	sshll.u32 s17, $0xE  }
0x37: {  	[sflag:s6] =	ssyncadd.s32 $0xFFFFC000;
	s19 =	sor.u32 $0x40, s18  }
0x38: {  	s17 =	smul.u32 $0x10200, s17;
	v0 =	vld [tilespmem:s19+$0x30]  }
0x39: {  	v3 =	vld [tilespmem:s19+$0xFFFFFFD0]  }
0x3a: {  	s17 =	sshrl.u32 s17, $0x2;
	v4 =	vld [tilespmem:s19+$0xFFFFFFE0]  }
0x3b: {  	v5 =	vld [tilespmem:s19+$0xFFFFFFF0];
	s18 =	sor.u32 $0x8000, s17  }
0x3c: {  	s31 =	sand.u32 $0x1, s13;
	v1 =	vld [tilespmem:s19+$0x0];
	s20 =	sadd.s32 $0x0, s18  }
0x3d: {  	v2 =	vld [tilespmem:s19+$0x10];
	s17 =	smul.u32 $0x10200, s31;
	[tilespmem:s20+$0x3870 ss:$0x81] =	vst.msk $0xffff, v0  }
0x3e: {  	[tilespmem:s20+$0x810 ss:$0x81] =	vst.msk $0xffff, v3;
	v3 =	vld [tilespmem:s19+$0x20]  }
0x3f: {  	s17 =	sshrl.u32 s17, $0x2;
	v0 =	vld [tilespmem:s19+$0xFFFFFFC0];
	[tilespmem:s20+$0x1020 ss:$0x81] =	vst.msk $0xffff, v4;
	s19 =	sadd.s32 $0x80, s19  }
0x40: {  	s21 =	simm.s32 $0x4;
	s22 =	simm.s32 $0x8;
	s17 =	sor.u32 $0x8000, s17;
	[tilespmem:s20+$0x1830 ss:$0x81] =	vst.msk $0xffff, v5;
	v4 =	vld [tilespmem:s19+$0x30]  }
.LBB1_3:
0x41: {  	p1 =	sne.s32 s22, $0x1FC;
	v5 =	vld [tilespmem:s19+$0xFFFFFFD0];
	[tilespmem:s20+$0x2040 ss:$0x81] =	vst.msk $0xffff, v1  }
0x42: {  	v6 =	vld [tilespmem:s19+$0xFFFFFFE0];
	[tilespmem:s20+$0x2850 ss:$0x81] =	vst.msk $0xffff, v2  }
0x43: {  	s23 =	sshra.s32 s21, $0x2;
	s21 =	smov.u32 s22;
	v7 =	vld [tilespmem:s19+$0xFFFFFFF0];
	[tilespmem:s20+$0x3060 ss:$0x81] =	vst.msk $0xffff, v3  }
.Ltmp3:
0x44: {  	v1 =	vld [tilespmem:s19+$0x0];
	[tilespmem:s20+$0x0 ss:$0x81] =	vst.msk $0xffff, v0;
	s20 =	sadd.s32 s23, s18;
	(pc) =	sbr.rel @p1 .LBB1_3-.Ltmp3, $4  }
0x45: {  	v2 =	vld [tilespmem:s19+$0x10];
	[tilespmem:s20+$0x3870 ss:$0x81] =	vst.msk $0xffff, v4  }
0x46: {  	[tilespmem:s20+$0x810 ss:$0x81] =	vst.msk $0xffff, v5;
	v3 =	vld [tilespmem:s19+$0x20]  }
0x47: {  	v0 =	vld [tilespmem:s19+$0xFFFFFFC0];
	[tilespmem:s20+$0x1020 ss:$0x81] =	vst.msk $0xffff, v6;
	s19 =	sadd.s32 $0x80, s19  }
0x48: {  	s22 =	sadd.s32 $0x4, s22;
	v4 =	vld [tilespmem:s19+$0x30];
	[tilespmem:s20+$0x1830 ss:$0x81] =	vst.msk $0xffff, v7  }
.Ltmp4:
0x49: {  	_ = 	snop;
	(pc) =	sbr.rel .LBB1_4-.Ltmp4, $1  }
0x4a: {  	_ =	sdelay $0x3  }
.LBB1_6:
0x4b: {  	_ =	sfence.sel $0x180000  }
0x4c: {  	s2 =	simm.s32 $0x1;
	[bflag:$0x0] =	sbarrier.arrive $0xFFFF  }
0x4d: {  	s31 =	simm.s32 $0x2;
	[sflag:s2] =	ssyncpa.u1 $0x1  }
0x4e: {  	[sflag:s31] =	ssyncpa.u1 $0x1  }
0x4f: {  	p0 =	sne.s32 s0, $0x0;
	_ =	strace $0x90000059  }
0x50: {  	s0 =	sadd.s32 @!p0 $0x100000, s1;
	[bflag:$0x2] =	sbarrier.arrive $0xFFFF  }
0x51: {  	[sflag:s0] =	ssyncadd.tile.s32 @!p0 $0x1;
	_ =	shalt  }
.Lfunc_end1:
_tile_overlayer_lowered:
.L_overlay_start_2:
0x52: {  	(tag) =	ssettag $0x2  }
0x53: {  	s0 =	rddreg [dreg:$0x0];
	s2 =	stileid.u32  }
0x54: {  	s1 =	rddreg [dreg:$0x1];
	p0 =	sne.s32 s2, $0x0  }
0x55: {  	s3 =	rddreg [dreg:$0x2];
	[bflag:$0x3] =	sbarrier.arrive $0xFFFF;
	s2 =	simm.s32 @!p0 $0x1C01  }
0x56: {  	[timem:s3], [sflag:s2] =	dma.local @!p0 [hbm:s0], s1  }
0x57: {  	s0 =	simm.s32 @!p0 $0x1  }
0x58: {  	_ =	swait.ge @!p0 [sflag:s0], s1  }
0x59: {  	s1 =	ssub.s32 @!p0 $0x0, s1;
	[sflag:s0] =	ssyncset.done @!p0 $0x0  }
0x5a: {  	[sflag:s0] =	ssyncadd.s32 @!p0 s1  }
0x5b: {  	[bflag:$0x3] =	sbarrier.arrive $0xFFFF  }
0x5c: {  	_ =	shalt  }

// kernel: sparse-core-data-format-call.4.cloned.1.call-start
scs
called_computation.4_lowered:
.L_overlay_start_0:
0x0: {  	s2 =	sld [smem:$0x3FD9]  }
0x1: {  	s3 =	sld [smem:$0x3FFE];
	_ =	sdelay $0x1  }
0x2: {  	s1 =	srdreg.scid  }
0x3: {  	s0 =	sand.u32 $0x1, s1  }
0x4: {  	s18 =	sshll.u32 s0, $0xA;
	s2 =	sadd.s32 s3, s2  }
0x5: {  	s2 =	sadd.s32 s2, s18  }
0x6: {  	[smem:$0x3FB2] =	sst s2  }
0x7: {  	_ = 	snop  }
0x8: {  	(tm) =	ssettm $0x1  }
0x9: {  	s19 =	sld [smem:$0x3FFB];
	_ =	sdelay $0x3  }
0xa: {  	_ =	strace s19  }
0xb: {  	s2 =	sld [smem:$0x3FFC];
	_ =	sdelay $0x3  }
0xc: {  	_ =	strace s2  }
0xd: {  	s2 =	sld [smem:$0x3FFD];
	_ =	sdelay $0x3  }
0xe: {  	_ =	strace s2  }
0xf: {  	_ =	strace $0x8FFFFFFF  }
0x10: {  	s20 =	sld [smem:$0x3FDB];
	_ =	sdelay $0x1  }
0x11: {  	s21 =	simm.s32 $_scs_section_size  }
0x12: {  	s4 =	simm.s32 $_size__tile_overlayer_lowered;
	s5 =	simm.s32 $_tile_overlayer_lowered  }
0x13: {  	s6 =	simm.s32 $0x1BFF;
	s22 =	sshll.u32 s5, $0x1;
	s3 =	sadd.s32 s21, s20  }
0x14: {  	s23 =	simm.s32 $0x0;
	s4 =	sshll.u32 s4, $0x1;
	s5 =	sadd.s32 s22, s3  }
0x15: {  	[timem:s23], [sflag:s6] =	dma.local [hbm:s5], s4  }
0x16: {  	_ =	swait.ge [sflag:s6], s4  }
0x17: {  	s4 =	ssub.s32 $0x0, s4;
	[sflag:s6] =	ssyncset.done $0x0  }
0x18: {  	[sflag:s6] =	ssyncadd.s32 s4;
	_ =	sdelay $0x1  }
0x19: {  	s24 =	simm.s32 $0x1B8B  }
0x1a: {  	_ =	swait.ge [sflag:s24], $0x1  }
0x1b: {  	[sflag:s24] =	ssyncset.done $0x0  }
0x1c: {  	[sflag:s24] =	ssyncadd.s32 $0xFFFFFFFF  }
0x1d: {  	s4 =	sld [smem:$0x0]  }
0x1e: {  	s5 =	sand.u32 $0xFFFFFFFE, s1  }
0x1f: {  	p0 =	sne.s32 s1, s5  }
0x20: {  	s5 =	sshll.u32 @p0 s5, $0xE  }
0x21: {  	s5 =	sadd.s32 @p0 $0x11B8D, s5;
	s6 =	sshll.u32 @p0 s4, $0x11  }
0x22: {  	s5 =	sor.u32 @p0 s6, s5  }
0x23: {  	[sflag:s5] =	ssyncadd.remote.s32 @p0 $0x1;
	_ =	sdelay $0x1  }
0x24: {  	s5 =	simm.s32 @p0 $0x1B8D  }
0x25: {  	_ =	swait.eq @p0 [sflag:s5], $0x1  }
0x26: {  	[sflag:s5] =	ssyncadd.s32 @p0 $0xFFFFFFFF  }
0x27: {  	s6 =	sshll.u32 @!p0 s1, $0xE  }
0x28: {  	s6 =	sor.u32 @!p0 $0x4000, s6;
	s5 =	simm.s32 @!p0 $0x1B8D  }
0x29: {  	s4 =	sshll.u32 @!p0 s4, $0x11;
	s6 =	sadd.s32 @!p0 $0x11B8D, s6;
	_ =	swait.eq @!p0 [sflag:s5], $0x1  }
0x2a: {  	s4 =	sor.u32 @!p0 s4, s6;
	[sflag:s5] =	ssyncadd.s32 @!p0 $0xFFFFFFFF  }
0x2b: {  	s26 =	simm.s32 $0x1B8E;
	s25 =	sld [smem:$0x3FFE];
	[sflag:s4] =	ssyncadd.remote.s32 @!p0 $0x1  }
0x2c: {  	s27 =	simm.s32 $execute0_lowered;
	[smem:$0x3FD2] =	sst s26  }
0x2d: {  	s5 =	sshll.u32 s27, $0x1;
	_ =	strace $0x80000055;
	[dreg:$0x1] =	wrdreg $0xFFFFFFFF  }
0x2e: {  	s28 =	simm.s32 $_size_execute0_lowered;
	s3 =	sadd.s32 s3, s5;
	[dreg:$0x0] =	wrdreg $0x0  }
0x2f: {  	s5 =	sshll.u32 s28, $0x1;
	[dreg:$0x2] =	wrdreg s3  }
0x30: {  	[dreg:$0x3] =	wrdreg s5  }
0x31: {  	[dreg:$0x4] =	wrdreg $0xC0  }
0x32: {  	_ =	task [dreg:s23], $0x5FFFF  }
0x33: {  	[dreg:$0x1] =	wrdreg $0xFFFFFFFF  }
0x34: {  	[dreg:$0x0] =	wrdreg $0x60  }
0x35: {  	[dreg:$0x2] =	wrdreg s25  }
0x36: {  	[dreg:$0x3] =	wrdreg $0x9  }
0x37: {  	_ =	task.clear_ibuf [dreg:s23], $0x4FFFF;
	_ =	strace $0x90000055  }
0x38: {  	s29 =	simm.s32 $0x9;
	_ =	strace $0x80000057  }
0x39: {  	_ =	swait.ge [sflag:s29], $0x1  }
0x3a: {  	[sflag:s29] =	ssyncadd.s32 $0xFFFFFFFF  }
0x3b: {  	_ =	strace $0x90000057  }
0x3c: {  	_ =	sfence  }
0x3d: {  	s30 =	sld [smem:$0x0];
	_ =	sdelay $0x2  }
0x3e: {  	s31 =	sshll.u32 s1, $0xD;
	s1 =	sshrl.u32 s1, $0x2  }
0x3f: {  	s4 =	sand.u32 $0x4000, s31;
	s1 =	sadd.s32 s1, s30  }
0x40: {  	s0 =	sor.u32 s4, s0;
	s1 =	sshll.u32 s1, $0x11  }
0x41: {  	s0 =	sor.u32 s1, s0  }
0x42: {  	s0 =	sadd.s32 $0x8F2B, s0  }
0x43: {  	[sflag:s0] =	ssyncadd.remote.s32 $0x1  }
0x44: {  	_ =	sfence.sel $0xFFFF  }
0x45: {  	[dreg:$0x0] =	wrdreg $0xFFFFFFFF;
	(pc) =	sbr.abs _section_cstart, $3  }
0x46: {  	[dreg:$0x1] =	wrdreg $0xFFFFFFFF  }
0x47: {  	_ =	task.clear_ibuf [dreg:s23], $0x2FFFF;
	_ =	strace $0x9FFFFFFF  }
0x48: {  	(tm) =	ssettm $0x7FFFFFFF  }
0x49: {  	_ =	shalt  }
tec
execute0_lowered:
.L_overlay_start_1:
0x0: {  	(tag) =	ssettag $0x1  }
0x1: {  	s0 =	stileid.u32  }
0x2: {  	s1 =	srdreg.scid;
	s4 =	rddreg [dreg:$0x0]  }
0x3: {  	s7 =	simm.s32 $0x1;
	s8 =	simm.s32 $0x2;
	s17 =	simm.s32 $0x0  }
0x4: {  	s9 =	simm.s32 $0x10000;
	s2 =	sshll.u32 s0, $0x4;
	s1 =	sshll.u32 s1, $0x8  }
0x5: {  	s16 =	simm.s32 $0x0;
	s15 =	simm.s32 $0x0;
	s1 =	sor.u32 s2, s1  }
0x6: {  	s18 =	simm.s32 $0x0;
	s10 =	simm.s32 $0x0;
	s2 =	sand.u32 $0x180, s1  }
0x7: {  	s11 =	simm.s32 $0x0;
	s14 =	simm.s32 $0x0;
	s6 =	ssub.s32 $0x800, s2  }
0x8: {  	s3 =	sadd.s32 $0x821000, s4;
	s4 =	sadd.s32 $0xDA1000, s4;
	s5 =	sand.u32 $0x180, s6  }
.Ltmp0:
0x9: {  	s1 =	rddreg [dreg:$0x1];
	p0 =	sne.s32 s5, $0x0;
	(pc) =	sbr.rel .LBB1_1-.Ltmp0, $4  }
0xa: {  	_ =	strace $0x80000056;
	s6 =	sshrl.u32 s6, $0x9;
	s7 =	simm.s32 @!p0 $0x0  }
0xb: {  	s12 =	smov.u32 s2;
	s5 =	simm.s32 $0x1;
	s7 =	sadd.s32 s7, s6  }
0xc: {  	[sflag:s5] =	ssyncpa.u1 $0x0;
	s6 =	sand.u32 $0x7, s0;
	s7 =	sshll.u32 s7, $0x2  }
0xd: {  	[sflag:s8] =	ssyncpa.u1 $0x0;
	s13 =	smov.u32 s6;
	s8 =	sor.u32 $0x1, s7  }
.LBB1_7:
0xe: {  	s19 =	sadd.s32 $0x8, s10  }
0xf: {  	s15 =	sadd.s32 $0x10, s11;
	s20 =	smov.u32 s11;
	p1 =	sgt.s32 s19, $0x1F  }
0x10: {  	s20 =	smov.u32 @p1 s15  }
0x11: {  	s21 =	smov.u32 s12;
	s15 =	sadd.s32 $0x200, s12;
	p2 =	sgt.s32 s20, $0xF  }
0x12: {  	s21 =	smov.u32 @p2 s15  }
0x13: {  	s22 =	smov.u32 s13;
	s15 =	sadd.s32 $0x8, s13;
	p3 =	sgt.s32 s21, $0x7FF  }
0x14: {  	s22 =	smov.u32 @p3 s15  }
0x15: {  	p0 =	slt.u32 s14, $0x2;
	s19 =	simm.s32 @p1 $0x0;
	p1 =	sgt.s32 s22, $0x7  }
0x16: {  	s23 =	simm.s32 @!p0 $0x2;
	s22 =	smov.u32 @p1 s6;
	p1 =	sne.s32 s14, s8  }
.Ltmp1:
0x17: {  	s17 =	smov.u32 s10;
	_ =	swait.ge @!p0 [sflag:s23], $0x4000;
	(pc) =	sbr.rel @!p1 .LBB1_8-.Ltmp1, $4  }
0x18: {  	s16 =	smov.u32 s11;
	s18 =	smov.u32 s13;
	[sflag:s23] =	ssyncset.done @!p0 $0x0  }
0x19: {  	s10 =	smov.u32 s19;
	s20 =	simm.s32 @p2 $0x0;
	[sflag:s23] =	ssyncadd.s32 @!p0 $0xFFFFC000  }
0x1a: {  	s11 =	smov.u32 s20;
	s21 =	smov.u32 @p3 s2;
	s15 =	smov.u32 s12  }
0x1b: {  	s12 =	smov.u32 s21;
	s14 =	sadd.s32 $0x1, s14;
	s13 =	smov.u32 s22  }
.LBB1_1:
0x1c: {  	p0 =	sge.u32 s14, s7;
	s31 =	sadd.s32 $0xFFFFFFFF, s14  }
0x1d: {  	s19 =	sshll.u32 @!p0 s11, $0x7;
	s20 =	sshll.u32 @!p0 s10, $0x3;
	s22 =	sxor.u32 @!p0 $0xFFFFFFFF, s14  }
0x1e: {  	s23 =	sshrl.u32 @!p0 s10, $0x3;
	s21 =	sand.u32 @!p0 $0x400, s19;
	s20 =	sand.u32 @!p0 $0x400, s20  }
0x1f: {  	s19 =	sand.u32 @!p0 $0x380, s19;
	s20 =	sadd.s32 @!p0 s21, s20;
	s21 =	sshll.u32 @!p0 s22, $0xE  }
0x20: {  	s19 =	sor.u32 @!p0 s19, s20;
	s20 =	sand.u32 @!p0 $0x4000, s21;
	s21 =	sshll.u32 @!p0 s13, $0x13  }
0x21: {  	s23 =	sand.u32 @!p0 $0xF, s23;
	s22 =	sshll.u32 @!p0 s12, $0x8;
	s21 =	sadd.s32 @!p0 s3, s21  }
0x22: {  	s19 =	sshrl.u32 @!p0 s19, $0x3;
	s21 =	sadd.s32 @!p0 s22, s21;
	s22 =	sand.u32 @!p0 $0x7, s10  }
0x23: {  	s19 =	sand.u32 @!p0 $0xF0, s19;
	s21 =	sadd.s32 @!p0 s23, s21;
	s22 =	sshll.u32 @!p0 s22, $0x12  }
0x24: {  	s19 =	sadd.s32 @!p0 s19, s21;
	s21 =	sor.u32 @!p0 $0x8, s22;
	s22 =	simm.s32 @!p0 $0x80  }
0x25: {  	[tilespmem:s20], [sflag:$0x1] =	stream.strided.gather @!p0 [hbm4b:s19+s21], $0x4000, s22, s21, $0x38;
	[tilespmem:$0x10100] =	vst v63  }
0x26: {  	p0 =	sge.u32 s31, s7  }
.Ltmp2:
0x27: {  	_ = 	snop;
	(pc) =	sbr.rel @p0 .LBB1_7-.Ltmp2, $1  }
0x28: {  	_ =	sdelay $0x3  }
0x29: {  	s19 =	sand.u32 $0x1, s14  }
0x2a: {  	_ =	swait.ge [sflag:s5], $0x4000;
	s20 =	smul.u32 $0x10200, s19  }
0x2b: {  	[sflag:s5] =	ssyncset.done $0x0  }
0x2c: {  	[sflag:s5] =	ssyncadd.s32 $0xFFFFC000;
	s21 =	sshrl.u32 s20, $0x2  }
0x2d: {  	s20 =	sshll.u32 s19, $0xE;
	s19 =	sor.u32 $0x8000, s21;
	s21 =	simm.s32 $0x0  }
.LBB1_3:
0x2e: {  	s22 =	sshll.u32 s21, $0x7  }
0x2f: {  	s22 =	sand.u32 $0x3FFFFF80, s22  }
0x30: {  	s22 =	sadd.s32 s22, s20  }
0x31: {  	v0 =	vmov s22;
	_ =	sdelay $0x1  }
0x32: {  	p0 =	por $0x1, $0x1;
	s22 =	simm.s32 $0x0  }
.LBB1_4:
0x33: {  	s23 =	sshll.u32 s22, $0x3  }
0x34: {  	s23 =	sand.u32 $0x3FFFFFF8, s23  }
0x35: {  	s31 =	smul.u32 $0x1020, s22;
	v1 =	vld.idx.msk [tilespmem:v0+s23+$0x0 ss:$0x1], $0xff;
	_ =	sdelay $0x1  }
0x36: {  	s22 =	sshra.s32 s31, $0x2  }
0x37: {  	s22 =	sadd.s32 s22, s19  }
0x38: {  	s22 =	sadd.s32 s21, s22  }
0x39: {  	[tilespmem:s22+$0x0 ss:$0x81] =	vst.msk $0xff, v1  }
0x3a: {  	v1 =	vld.idx.msk [tilespmem:v0+s23+$0x8 ss:$0x1], $0xff;
	_ =	sdelay $0x4  }
0x3b: {  	[tilespmem:s22+$0x408 ss:$0x81] =	vst.msk $0xff, v1  }
0x3c: {  	v1 =	vld.idx.msk [tilespmem:v0+s23+$0x10 ss:$0x1], $0xff;
	_ =	sdelay $0x4  }
0x3d: {  	[tilespmem:s22+$0x810 ss:$0x81] =	vst.msk $0xff, v1  }
0x3e: {  	v1 =	vld.idx.msk [tilespmem:v0+s23+$0x18 ss:$0x1], $0xff;
	_ =	sdelay $0x4  }
0x3f: {  	[tilespmem:s22+$0xC18 ss:$0x81] =	vst.msk $0xff, v1  }
0x40: {  	v1 =	vld.idx.msk [tilespmem:v0+s23+$0x20 ss:$0x1], $0xff;
	_ =	sdelay $0x4  }
0x41: {  	[tilespmem:s22+$0x1020 ss:$0x81] =	vst.msk $0xff, v1  }
0x42: {  	v1 =	vld.idx.msk [tilespmem:v0+s23+$0x28 ss:$0x1], $0xff;
	_ =	sdelay $0x4  }
0x43: {  	[tilespmem:s22+$0x1428 ss:$0x81] =	vst.msk $0xff, v1  }
0x44: {  	v1 =	vld.idx.msk [tilespmem:v0+s23+$0x30 ss:$0x1], $0xff;
	_ =	sdelay $0x4  }
0x45: {  	[tilespmem:s22+$0x1830 ss:$0x81] =	vst.msk $0xff, v1  }
0x46: {  	p1 =	por p0, p0;
	v1 =	vld.idx.msk [tilespmem:v0+s23+$0x38 ss:$0x1], $0xff  }
.Ltmp3:
0x47: {  	_ = 	snop;
	(pc) =	sbr.rel @p1 .LBB1_4-.Ltmp3, $2  }
0x48: {  	_ =	sdelay $0x2  }
0x49: {  	p0 =	por $0x0, $0x0;
	[tilespmem:s22+$0x1C38 ss:$0x81] =	vst.msk $0xff, v1;
	s22 =	simm.s32 $0x8  }
0x4a: {  	s21 =	sadd.s32 $0x1, s21  }
0x4b: {  	p0 =	sne.s32 s21, $0x80  }
.Ltmp4:
0x4c: {  	_ = 	snop;
	(pc) =	sbr.rel @p0 .LBB1_3-.Ltmp4, $1  }
0x4d: {  	_ =	sdelay $0x3  }
0x4e: {  	s20 =	sand.u32 $0x78, s15  }
0x4f: {  	s21 =	sshll.u32 s17, $0xB;
	s22 =	sshll.u32 s15, $0x3;
	s29 =	sshll.u32 s17, $0x7  }
0x50: {  	s18 =	sshll.u32 s18, $0x11;
	s16 =	sshll.u32 s16, $0xD;
	s31 =	sand.u32 $0x7, s15  }
0x51: {  	s21 =	sand.u32 $0xC000, s21;
	s23 =	sand.u32 $0x400, s22;
	s22 =	sand.u32 $0xFC00, s22  }
0x52: {  	s17 =	sand.u32 $0x380, s29;
	s18 =	sadd.s32 s4, s18;
	s21 =	sadd.s32 s22, s21  }
.Ltmp5:
0x53: {  	s20 =	sor.u32 s20, s23;
	s30 =	sshrl.u32 s21, $0x3;
	(pc) =	sbr.rel .LBB1_7-.Ltmp5, $4  }
0x54: {  	s16 =	sadd.s32 s16, s18;
	s17 =	sor.u32 s17, s20;
	s20 =	sand.u32 $0x1F00, s30  }
0x55: {  	s15 =	sshll.u32 s31, $0x12;
	s17 =	sshrl.u32 s17, $0x3;
	s16 =	sadd.s32 s20, s16  }
0x56: {  	s15 =	sor.u32 $0x400, s15;
	s16 =	sadd.s32 s17, s16  }
0x57: {  	[hbm4b:s16+s15] =	stream.strided.scatter [tilespmem:s19], [sflag:$0x2], $0x4000, s9, s15, $0x20;
	[tilespmem:$0x10100] =	vst v63  }
.LBB1_8:
0x58: {  	_ =	sfence.sel $0x180000  }
0x59: {  	s2 =	simm.s32 $0x1;
	[bflag:$0x0] =	sbarrier.arrive $0xFFFF  }
0x5a: {  	s31 =	simm.s32 $0x2;
	[sflag:s2] =	ssyncpa.u1 $0x1  }
0x5b: {  	[sflag:s31] =	ssyncpa.u1 $0x1  }
0x5c: {  	p0 =	sne.s32 s0, $0x0;
	_ =	strace $0x90000056  }
0x5d: {  	s0 =	sadd.s32 @!p0 $0x100000, s1;
	[bflag:$0x2] =	sbarrier.arrive $0xFFFF  }
0x5e: {  	[sflag:s0] =	ssyncadd.tile.s32 @!p0 $0x1;
	_ =	shalt  }
.Lfunc_end1:
_tile_overlayer_lowered:
.L_overlay_start_2:
0x5f: {  	(tag) =	ssettag $0x2  }
0x60: {  	s0 =	rddreg [dreg:$0x0];
	s2 =	stileid.u32  }
0x61: {  	s1 =	rddreg [dreg:$0x1];
	p0 =	sne.s32 s2, $0x0  }
0x62: {  	s3 =	rddreg [dreg:$0x2];
	[bflag:$0x3] =	sbarrier.arrive $0xFFFF;
	s2 =	simm.s32 @!p0 $0x1C01  }
0x63: {  	[timem:s3], [sflag:s2] =	dma.local @!p0 [hbm:s0], s1  }
0x64: {  	s0 =	simm.s32 @!p0 $0x1  }
0x65: {  	_ =	swait.ge @!p0 [sflag:s0], s1  }
0x66: {  	s1 =	ssub.s32 @!p0 $0x0, s1;
	[sflag:s0] =	ssyncset.done @!p0 $0x0  }
0x67: {  	[sflag:s0] =	ssyncadd.s32 @!p0 s1  }
0x68: {  	[bflag:$0x3] =	sbarrier.arrive $0xFFFF  }
0x69: {  	_ =	shalt  }

// kernel: sparse-core-data-format-call.5.cloned.1.call-start
scs
called_computation.5_lowered:
.L_overlay_start_0:
0x0: {  	s2 =	sld [smem:$0x3FD9]  }
0x1: {  	s3 =	sld [smem:$0x3FFE];
	_ =	sdelay $0x1  }
0x2: {  	s1 =	srdreg.scid  }
0x3: {  	s0 =	sand.u32 $0x1, s1  }
0x4: {  	s18 =	sshll.u32 s0, $0xA;
	s2 =	sadd.s32 s3, s2  }
0x5: {  	s2 =	sadd.s32 s2, s18  }
0x6: {  	[smem:$0x3FB2] =	sst s2  }
0x7: {  	_ = 	snop  }
0x8: {  	(tm) =	ssettm $0x1  }
0x9: {  	s19 =	sld [smem:$0x3FFB];
	_ =	sdelay $0x3  }
0xa: {  	_ =	strace s19  }
0xb: {  	s2 =	sld [smem:$0x3FFC];
	_ =	sdelay $0x3  }
0xc: {  	_ =	strace s2  }
0xd: {  	s2 =	sld [smem:$0x3FFD];
	_ =	sdelay $0x3  }
0xe: {  	_ =	strace s2  }
0xf: {  	_ =	strace $0x8FFFFFFF  }
0x10: {  	s20 =	sld [smem:$0x3FDB];
	_ =	sdelay $0x1  }
0x11: {  	s21 =	simm.s32 $_scs_section_size  }
0x12: {  	s4 =	simm.s32 $_size__tile_overlayer_lowered;
	s5 =	simm.s32 $_tile_overlayer_lowered  }
0x13: {  	s6 =	simm.s32 $0x1BFF;
	s22 =	sshll.u32 s5, $0x1;
	s3 =	sadd.s32 s21, s20  }
0x14: {  	s23 =	simm.s32 $0x0;
	s4 =	sshll.u32 s4, $0x1;
	s5 =	sadd.s32 s22, s3  }
0x15: {  	[timem:s23], [sflag:s6] =	dma.local [hbm:s5], s4  }
0x16: {  	_ =	swait.ge [sflag:s6], s4  }
0x17: {  	s4 =	ssub.s32 $0x0, s4;
	[sflag:s6] =	ssyncset.done $0x0  }
0x18: {  	[sflag:s6] =	ssyncadd.s32 s4;
	_ =	sdelay $0x1  }
0x19: {  	s24 =	simm.s32 $0x1B8B  }
0x1a: {  	_ =	swait.ge [sflag:s24], $0x1  }
0x1b: {  	[sflag:s24] =	ssyncset.done $0x0  }
0x1c: {  	[sflag:s24] =	ssyncadd.s32 $0xFFFFFFFF  }
0x1d: {  	s4 =	sld [smem:$0x0]  }
0x1e: {  	s5 =	sand.u32 $0xFFFFFFFE, s1  }
0x1f: {  	p0 =	sne.s32 s1, s5  }
0x20: {  	s5 =	sshll.u32 @p0 s5, $0xE  }
0x21: {  	s5 =	sadd.s32 @p0 $0x11B8D, s5;
	s6 =	sshll.u32 @p0 s4, $0x11  }
0x22: {  	s5 =	sor.u32 @p0 s6, s5  }
0x23: {  	[sflag:s5] =	ssyncadd.remote.s32 @p0 $0x1;
	_ =	sdelay $0x1  }
0x24: {  	s5 =	simm.s32 @p0 $0x1B8D  }
0x25: {  	_ =	swait.eq @p0 [sflag:s5], $0x1  }
0x26: {  	[sflag:s5] =	ssyncadd.s32 @p0 $0xFFFFFFFF  }
0x27: {  	s6 =	sshll.u32 @!p0 s1, $0xE  }
0x28: {  	s6 =	sor.u32 @!p0 $0x4000, s6;
	s5 =	simm.s32 @!p0 $0x1B8D  }
0x29: {  	s4 =	sshll.u32 @!p0 s4, $0x11;
	s6 =	sadd.s32 @!p0 $0x11B8D, s6;
	_ =	swait.eq @!p0 [sflag:s5], $0x1  }
0x2a: {  	s4 =	sor.u32 @!p0 s4, s6;
	[sflag:s5] =	ssyncadd.s32 @!p0 $0xFFFFFFFF  }
0x2b: {  	s26 =	simm.s32 $0x1B8E;
	s25 =	sld [smem:$0x3FFE];
	[sflag:s4] =	ssyncadd.remote.s32 @!p0 $0x1  }
0x2c: {  	s27 =	simm.s32 $execute0_lowered;
	[smem:$0x3FD2] =	sst s26  }
0x2d: {  	s5 =	sshll.u32 s27, $0x1;
	_ =	strace $0x8000004F;
	[dreg:$0x1] =	wrdreg $0xFFFFFFFF  }
0x2e: {  	s28 =	simm.s32 $_size_execute0_lowered;
	s3 =	sadd.s32 s3, s5;
	[dreg:$0x0] =	wrdreg $0x0  }
0x2f: {  	s5 =	sshll.u32 s28, $0x1;
	[dreg:$0x2] =	wrdreg s3  }
0x30: {  	[dreg:$0x3] =	wrdreg s5  }
0x31: {  	[dreg:$0x4] =	wrdreg $0xC0  }
0x32: {  	_ =	task [dreg:s23], $0x5FFFF  }
0x33: {  	[dreg:$0x1] =	wrdreg $0xFFFFFFFF  }
0x34: {  	[dreg:$0x0] =	wrdreg $0x60  }
0x35: {  	[dreg:$0x2] =	wrdreg s25  }
0x36: {  	[dreg:$0x3] =	wrdreg $0x9  }
0x37: {  	_ =	task.clear_ibuf [dreg:s23], $0x4FFFF;
	_ =	strace $0x9000004F  }
0x38: {  	s29 =	simm.s32 $0x9;
	_ =	strace $0x80000051  }
0x39: {  	_ =	swait.ge [sflag:s29], $0x1  }
0x3a: {  	[sflag:s29] =	ssyncadd.s32 $0xFFFFFFFF  }
0x3b: {  	_ =	strace $0x90000051  }
0x3c: {  	_ =	sfence  }
0x3d: {  	s30 =	sld [smem:$0x0];
	_ =	sdelay $0x2  }
0x3e: {  	s31 =	sshll.u32 s1, $0xD;
	s1 =	sshrl.u32 s1, $0x2  }
0x3f: {  	s4 =	sand.u32 $0x4000, s31;
	s1 =	sadd.s32 s1, s30  }
0x40: {  	s0 =	sor.u32 s4, s0;
	s1 =	sshll.u32 s1, $0x11  }
0x41: {  	s0 =	sor.u32 s1, s0  }
0x42: {  	s0 =	sadd.s32 $0x8F2B, s0  }
0x43: {  	[sflag:s0] =	ssyncadd.remote.s32 $0x1  }
0x44: {  	_ =	sfence.sel $0xFFFF  }
0x45: {  	[dreg:$0x0] =	wrdreg $0xFFFFFFFF;
	(pc) =	sbr.abs _section_cstart, $3  }
0x46: {  	[dreg:$0x1] =	wrdreg $0xFFFFFFFF  }
0x47: {  	_ =	task.clear_ibuf [dreg:s23], $0x2FFFF;
	_ =	strace $0x9FFFFFFF  }
0x48: {  	(tm) =	ssettm $0x7FFFFFFF  }
0x49: {  	_ =	shalt  }
tec
execute0_lowered:
.L_overlay_start_1:
0x0: {  	(tag) =	ssettag $0x1  }
0x1: {  	s0 =	stileid.u32;
	s1 =	srdreg.scid  }
0x2: {  	s4 =	rddreg [dreg:$0x0];
	s7 =	simm.s32 $0x1;
	s31 =	simm.s32 $0x2  }
0x3: {  	s16 =	simm.s32 $0x0;
	s2 =	sshll.u32 s0, $0x4;
	s1 =	sshll.u32 s1, $0x8  }
0x4: {  	s9 =	simm.s32 $0x4000;
	s14 =	simm.s32 $0x0;
	s1 =	sor.u32 s2, s1  }
0x5: {  	s15 =	simm.s32 $0x0;
	s10 =	simm.s32 $0x0;
	s2 =	sand.u32 $0x180, s1  }
0x6: {  	s13 =	simm.s32 $0x0;
	s3 =	sadd.s32 $0x1083000, s4;
	s5 =	ssub.s32 $0x800, s2  }
0x7: {  	s4 =	sadd.s32 $0x1483000, s4;
	s1 =	rddreg [dreg:$0x1];
	s6 =	sand.u32 $0x180, s5  }
.Ltmp0:
0x8: {  	_ =	strace $0x80000050;
	p0 =	sne.s32 s6, $0x0;
	(pc) =	sbr.rel .LBB1_1-.Ltmp0, $4  }
0x9: {  	s11 =	smov.u32 s2;
	s8 =	sshrl.u32 s5, $0x9;
	s7 =	simm.s32 @!p0 $0x0  }
0xa: {  	s5 =	sand.u32 $0x7, s0;
	s6 =	simm.s32 $0x1;
	s7 =	sadd.s32 s7, s8  }
0xb: {  	s12 =	smov.u32 s5;
	[sflag:s6] =	ssyncpa.u1 $0x0;
	s7 =	sshll.u32 s7, $0x4  }
0xc: {  	p0 =	por $0x0, $0x0;
	[sflag:s31] =	ssyncpa.u1 $0x0;
	s8 =	sor.u32 $0x1, s7  }
.LBB1_4:
0xd: {  	v5 =	vld [tilespmem:s19+$0xFFFFFFD0]  }
0xe: {  	[tilespmem:s20+$0x2040 ss:$0x81] =	vst.msk $0xffff, v1;
	v58 =	vld [tilespmem:s19+$0xFFFFFFE0]  }
0xf: {  	[tilespmem:s20+$0x2850 ss:$0x81] =	vst.msk $0xffff, v2;
	v59 =	vld [tilespmem:s19+$0xFFFFFFF0]  }
0x10: {  	s21 =	sshra.s32 s21, $0x2;
	[tilespmem:s20+$0x3060 ss:$0x81] =	vst.msk $0xffff, v3;
	v60 =	vld [tilespmem:s19+$0x0]  }
0x11: {  	[tilespmem:s20+$0x0 ss:$0x81] =	vst.msk $0xffff, v0;
	v61 =	vld [tilespmem:s19+$0x10];
	s18 =	sadd.s32 s21, s18  }
0x12: {  	s26 =	sshll.u32 s16, $0xB;
	v62 =	vld [tilespmem:s19+$0x20];
	[tilespmem:s18+$0x3870 ss:$0x81] =	vst.msk $0xffff, v4  }
0x13: {  	s27 =	sand.u32 $0x78, s14;
	s22 =	sshll.u32 s14, $0x3;
	v63 =	vld [tilespmem:s19+$0xFFFFFFC0];
	s29 =	sshll.u32 s16, $0x7;
	[tilespmem:s18+$0x810 ss:$0x81] =	vst.msk $0xffff, v5  }
0x14: {  	s15 =	sshll.u32 s15, $0x13;
	s20 =	sand.u32 $0x3FC000, s26;
	s28 =	sand.u32 $0x3FFC00, s22;
	[tilespmem:s18+$0x1020 ss:$0x81] =	vst.msk $0xffff, v58  }
0x15: {  	s31 =	sand.u32 $0x7, s14;
	s22 =	sand.u32 $0x400, s22;
	s19 =	sadd.s32 s28, s20;
	[tilespmem:s18+$0x1830 ss:$0x81] =	vst.msk $0xffff, v59  }
0x16: {  	s16 =	sand.u32 $0x380, s29;
	s30 =	sor.u32 s27, s22;
	s19 =	sshrl.u32 s19, $0x3;
	[tilespmem:s18+$0x2040 ss:$0x81] =	vst.msk $0xffff, v60  }
0x17: {  	s15 =	sadd.s32 s4, s15;
	s16 =	sor.u32 s16, s30;
	s19 =	sand.u32 $0x7FF00, s19;
	[tilespmem:s18+$0x2850 ss:$0x81] =	vst.msk $0xffff, v61  }
0x18: {  	s14 =	sshll.u32 s31, $0x12;
	s16 =	sshrl.u32 s16, $0x3;
	[tilespmem:s18+$0x3060 ss:$0x81] =	vst.msk $0xffff, v62;
	s15 =	sadd.s32 s19, s15  }
0x19: {  	s14 =	sor.u32 $0x400, s14;
	[tilespmem:s18+$0x0 ss:$0x81] =	vst.msk $0xffff, v63;
	s15 =	sadd.s32 s16, s15  }
0x1a: {  	[hbm4b:s15+s14] =	stream.strided.scatter [tilespmem:s17], [sflag:$0x2], $0x4000, s9, s14, $0x20;
	[tilespmem:$0x10100] =	vst v63  }
.LBB1_5:
0x1b: {  	s17 =	sadd.s32 $0x80, s10  }
0x1c: {  	s14 =	sadd.s32 $0x200, s11;
	s18 =	smov.u32 s11;
	p2 =	sgt.s32 s17, $0x7FF  }
0x1d: {  	s18 =	smov.u32 @p2 s14  }
0x1e: {  	s20 =	smov.u32 s12;
	s14 =	sadd.s32 $0x8, s12;
	p3 =	sgt.s32 s18, $0x7FF  }
0x1f: {  	s20 =	smov.u32 @p3 s14  }
0x20: {  	s17 =	simm.s32 @p2 $0x0;
	p2 =	sgt.s32 s20, $0x7  }
0x21: {  	p1 =	slt.u32 s13, $0x2;
	s20 =	smov.u32 @p2 s5;
	p2 =	sne.s32 s13, s8  }
.Ltmp1:
0x22: {  	s19 =	simm.s32 @!p1 $0x2;
	(pc) =	sbr.rel @!p2 .LBB1_6-.Ltmp1, $4  }
0x23: {  	s16 =	smov.u32 s10;
	s15 =	smov.u32 s12;
	_ =	swait.ge @!p1 [sflag:s19], $0x4000  }
0x24: {  	p0 =	por !p0, !p0;
	[sflag:s19] =	ssyncset.done @!p1 $0x0;
	s10 =	smov.u32 s17  }
0x25: {  	s18 =	smov.u32 @p3 s2;
	s14 =	smov.u32 s11;
	[sflag:s19] =	ssyncadd.s32 @!p1 $0xFFFFC000  }
0x26: {  	s11 =	smov.u32 s18;
	s13 =	sadd.s32 $0x1, s13;
	s12 =	smov.u32 s20  }
.LBB1_1:
0x27: {  	p1 =	sge.u32 s13, s7;
	s31 =	sadd.s32 $0xFFFFFFFF, s13  }
0x28: {  	s17 =	sxor.u32 @!p1 $0xFFFFFFFF, s13;
	s18 =	sand.u32 @!p1 $0x78, s10;
	s19 =	sshll.u32 @!p1 s11, $0xB  }
0x29: {  	s20 =	sshll.u32 @!p1 s11, $0x7;
	s21 =	sshll.u32 @!p1 s10, $0x3;
	s17 =	sshll.u32 @!p1 s17, $0xE  }
0x2a: {  	s19 =	sand.u32 @!p1 $0x3FC000, s19;
	s20 =	sand.u32 @!p1 $0x380, s20;
	s17 =	sand.u32 @!p1 $0x4000, s17  }
0x2b: {  	s19 =	sadd.s32 @!p1 s19, s21;
	s21 =	sand.u32 @!p1 $0x400, s21;
	s18 =	sor.u32 @!p1 s20, s18  }
0x2c: {  	s20 =	sshll.u32 @!p1 s12, $0x13;
	s18 =	sor.u32 @!p1 s21, s18;
	s19 =	sshrl.u32 @!p1 s19, $0x3  }
0x2d: {  	s20 =	sadd.s32 @!p1 s3, s20;
	s21 =	sand.u32 @!p1 $0x7, s10;
	s19 =	sand.u32 @!p1 $0x7FF00, s19  }
0x2e: {  	s18 =	sshrl.u32 @!p1 s18, $0x3;
	s19 =	sadd.s32 @!p1 s19, s20;
	s20 =	sshll.u32 @!p1 s21, $0x12  }
0x2f: {  	s18 =	sadd.s32 @!p1 s18, s19;
	s19 =	sor.u32 @!p1 $0x400, s20;
	s20 =	simm.s32 @!p1 $0x4000  }
0x30: {  	[tilespmem:s17], [sflag:$0x1] =	stream.strided.gather @!p1 [hbm4b:s18+s19], $0x4000, s20, s19, $0x38;
	[tilespmem:$0x10100] =	vst v63  }
0x31: {  	p1 =	sge.u32 s31, s7  }
.Ltmp2:
0x32: {  	_ = 	snop;
	(pc) =	sbr.rel @p1 .LBB1_5-.Ltmp2, $1  }
0x33: {  	_ =	sdelay $0x3  }
0x34: {  	s17 =	simm.s32 $0x1  }
0x35: {  	_ =	swait.ge [sflag:s6], $0x4000;
	s17 =	simm.s32 @!p0 $0x0  }
0x36: {  	[sflag:s6] =	ssyncset.done $0x0;
	s18 =	sshll.u32 s17, $0xE  }
0x37: {  	[sflag:s6] =	ssyncadd.s32 $0xFFFFC000;
	s19 =	sor.u32 $0x40, s18  }
0x38: {  	s17 =	smul.u32 $0x10200, s17;
	v0 =	vld [tilespmem:s19+$0x30]  }
0x39: {  	v3 =	vld [tilespmem:s19+$0xFFFFFFD0]  }
0x3a: {  	s17 =	sshrl.u32 s17, $0x2;
	v4 =	vld [tilespmem:s19+$0xFFFFFFE0]  }
0x3b: {  	v5 =	vld [tilespmem:s19+$0xFFFFFFF0];
	s18 =	sor.u32 $0x8000, s17  }
0x3c: {  	s31 =	sand.u32 $0x1, s13;
	v1 =	vld [tilespmem:s19+$0x0];
	s20 =	sadd.s32 $0x0, s18  }
0x3d: {  	v2 =	vld [tilespmem:s19+$0x10];
	s17 =	smul.u32 $0x10200, s31;
	[tilespmem:s20+$0x3870 ss:$0x81] =	vst.msk $0xffff, v0  }
0x3e: {  	[tilespmem:s20+$0x810 ss:$0x81] =	vst.msk $0xffff, v3;
	v3 =	vld [tilespmem:s19+$0x20]  }
0x3f: {  	s17 =	sshrl.u32 s17, $0x2;
	v0 =	vld [tilespmem:s19+$0xFFFFFFC0];
	[tilespmem:s20+$0x1020 ss:$0x81] =	vst.msk $0xffff, v4;
	s19 =	sadd.s32 $0x80, s19  }
0x40: {  	s21 =	simm.s32 $0x4;
	s22 =	simm.s32 $0x8;
	s17 =	sor.u32 $0x8000, s17;
	[tilespmem:s20+$0x1830 ss:$0x81] =	vst.msk $0xffff, v5;
	v4 =	vld [tilespmem:s19+$0x30]  }
.LBB1_3:
0x41: {  	p1 =	sne.s32 s22, $0x1FC;
	v5 =	vld [tilespmem:s19+$0xFFFFFFD0];
	[tilespmem:s20+$0x2040 ss:$0x81] =	vst.msk $0xffff, v1  }
0x42: {  	v6 =	vld [tilespmem:s19+$0xFFFFFFE0];
	[tilespmem:s20+$0x2850 ss:$0x81] =	vst.msk $0xffff, v2  }
0x43: {  	s23 =	sshra.s32 s21, $0x2;
	s21 =	smov.u32 s22;
	v7 =	vld [tilespmem:s19+$0xFFFFFFF0];
	[tilespmem:s20+$0x3060 ss:$0x81] =	vst.msk $0xffff, v3  }
.Ltmp3:
0x44: {  	v1 =	vld [tilespmem:s19+$0x0];
	[tilespmem:s20+$0x0 ss:$0x81] =	vst.msk $0xffff, v0;
	s20 =	sadd.s32 s23, s18;
	(pc) =	sbr.rel @p1 .LBB1_3-.Ltmp3, $4  }
0x45: {  	v2 =	vld [tilespmem:s19+$0x10];
	[tilespmem:s20+$0x3870 ss:$0x81] =	vst.msk $0xffff, v4  }
0x46: {  	[tilespmem:s20+$0x810 ss:$0x81] =	vst.msk $0xffff, v5;
	v3 =	vld [tilespmem:s19+$0x20]  }
0x47: {  	v0 =	vld [tilespmem:s19+$0xFFFFFFC0];
	[tilespmem:s20+$0x1020 ss:$0x81] =	vst.msk $0xffff, v6;
	s19 =	sadd.s32 $0x80, s19  }
0x48: {  	s22 =	sadd.s32 $0x4, s22;
	v4 =	vld [tilespmem:s19+$0x30];
	[tilespmem:s20+$0x1830 ss:$0x81] =	vst.msk $0xffff, v7  }
.Ltmp4:
0x49: {  	_ = 	snop;
	(pc) =	sbr.rel .LBB1_4-.Ltmp4, $1  }
0x4a: {  	_ =	sdelay $0x3  }
.LBB1_6:
0x4b: {  	_ =	sfence.sel $0x180000  }
0x4c: {  	s2 =	simm.s32 $0x1;
	[bflag:$0x0] =	sbarrier.arrive $0xFFFF  }
0x4d: {  	s31 =	simm.s32 $0x2;
	[sflag:s2] =	ssyncpa.u1 $0x1  }
0x4e: {  	[sflag:s31] =	ssyncpa.u1 $0x1  }
0x4f: {  	p0 =	sne.s32 s0, $0x0;
	_ =	strace $0x90000050  }
0x50: {  	s0 =	sadd.s32 @!p0 $0x100000, s1;
	[bflag:$0x2] =	sbarrier.arrive $0xFFFF  }
0x51: {  	[sflag:s0] =	ssyncadd.tile.s32 @!p0 $0x1;
	_ =	shalt  }
.Lfunc_end1:
_tile_overlayer_lowered:
.L_overlay_start_2:
0x52: {  	(tag) =	ssettag $0x2  }
0x53: {  	s0 =	rddreg [dreg:$0x0];
	s2 =	stileid.u32  }
0x54: {  	s1 =	rddreg [dreg:$0x1];
	p0 =	sne.s32 s2, $0x0  }
0x55: {  	s3 =	rddreg [dreg:$0x2];
	[bflag:$0x3] =	sbarrier.arrive $0xFFFF;
	s2 =	simm.s32 @!p0 $0x1C01  }
0x56: {  	[timem:s3], [sflag:s2] =	dma.local @!p0 [hbm:s0], s1  }
0x57: {  	s0 =	simm.s32 @!p0 $0x1  }
0x58: {  	_ =	swait.ge @!p0 [sflag:s0], s1  }
0x59: {  	s1 =	ssub.s32 @!p0 $0x0, s1;
	[sflag:s0] =	ssyncset.done @!p0 $0x0  }
0x5a: {  	[sflag:s0] =	ssyncadd.s32 @!p0 s1  }
0x5b: {  	[bflag:$0x3] =	sbarrier.arrive $0xFFFF  }
0x5c: {  	_ =	shalt  }

// kernel: sparse-core-data-format-call.6.cloned.1.call-start
scs
called_computation.6_lowered:
.L_overlay_start_0:
0x0: {  	s1 =	sld [smem:$0x3FD9]  }
0x1: {  	s2 =	sld [smem:$0x3FFE];
	_ =	sdelay $0x1  }
0x2: {  	s3 =	srdreg.scid  }
0x3: {  	s0 =	sand.u32 $0x1, s3  }
0x4: {  	s17 =	sshll.u32 s0, $0xA;
	s1 =	sadd.s32 s2, s1  }
0x5: {  	s1 =	sadd.s32 s1, s17  }
0x6: {  	[smem:$0x3FB2] =	sst s1  }
0x7: {  	_ = 	snop  }
0x8: {  	(tm) =	ssettm $0x1  }
0x9: {  	s18 =	sld [smem:$0x3FFB];
	_ =	sdelay $0x3  }
0xa: {  	_ =	strace s18  }
0xb: {  	s1 =	sld [smem:$0x3FFC];
	_ =	sdelay $0x3  }
0xc: {  	_ =	strace s1  }
0xd: {  	s1 =	sld [smem:$0x3FFD];
	_ =	sdelay $0x3  }
0xe: {  	_ =	strace s1  }
0xf: {  	_ =	strace $0x8FFFFFFF  }
0x10: {  	s19 =	sld [smem:$0x3FDB];
	_ =	sdelay $0x1  }
0x11: {  	s20 =	simm.s32 $_scs_section_size  }
0x12: {  	s4 =	simm.s32 $_size__tile_overlayer_lowered;
	s5 =	simm.s32 $_tile_overlayer_lowered  }
0x13: {  	s23 =	simm.s32 $0x1BFF;
	s22 =	sshll.u32 s5, $0x1;
	s1 =	sadd.s32 s20, s19  }
0x14: {  	s6 =	simm.s32 $0x0;
	s21 =	sshll.u32 s4, $0x1;
	s4 =	sadd.s32 s22, s1  }
0x15: {  	[timem:s6], [sflag:s23] =	dma.local [hbm:s4], s21  }
0x16: {  	_ =	swait.ge [sflag:s23], s21  }
0x17: {  	s2 =	ssub.s32 $0x0, s21;
	[sflag:s23] =	ssyncset.done $0x0  }
0x18: {  	[sflag:s23] =	ssyncadd.s32 s2;
	_ =	sdelay $0x1  }
0x19: {  	s24 =	simm.s32 $0x1B8B  }
0x1a: {  	_ =	swait.ge [sflag:s24], $0x1  }
0x1b: {  	[sflag:s24] =	ssyncset.done $0x0  }
0x1c: {  	s26 =	simm.s32 $0x1B8E;
	s25 =	sld [smem:$0x3FFE];
	[sflag:s24] =	ssyncadd.s32 $0xFFFFFFFF  }
0x1d: {  	s27 =	simm.s32 $execute0_lowered;
	[smem:$0x3FD2] =	sst s26  }
0x1e: {  	s4 =	sshll.u32 s27, $0x1;
	_ =	strace $0x80000046;
	[dreg:$0x1] =	wrdreg $0xFFFFFFFF  }
0x1f: {  	s28 =	simm.s32 $_size_execute0_lowered;
	s1 =	sadd.s32 s1, s4;
	[dreg:$0x0] =	wrdreg $0x0  }
0x20: {  	s4 =	sshll.u32 s28, $0x1;
	[dreg:$0x2] =	wrdreg s1  }
0x21: {  	[dreg:$0x3] =	wrdreg s4  }
0x22: {  	[dreg:$0x4] =	wrdreg $0xC0  }
0x23: {  	_ =	task [dreg:s6], $0x5FFFF  }
0x24: {  	[dreg:$0x1] =	wrdreg $0xFFFFFFFF  }
0x25: {  	[dreg:$0x0] =	wrdreg $0x60  }
0x26: {  	[dreg:$0x2] =	wrdreg s25  }
0x27: {  	[dreg:$0x3] =	wrdreg $0x9  }
0x28: {  	_ =	task.clear_ibuf [dreg:s6], $0x4FFFF;
	_ =	strace $0x90000046  }
0x29: {  	s29 =	simm.s32 $0x9;
	_ =	strace $0x80000048  }
0x2a: {  	_ =	swait.ge [sflag:s29], $0x1  }
0x2b: {  	[sflag:s29] =	ssyncadd.s32 $0xFFFFFFFF  }
0x2c: {  	_ =	strace $0x90000048  }
0x2d: {  	_ =	sfence  }
0x2e: {  	s30 =	sld [smem:$0x0];
	_ =	sdelay $0x2  }
0x2f: {  	s31 =	sshll.u32 s3, $0xD;
	s3 =	sshrl.u32 s3, $0x2  }
0x30: {  	s2 =	sand.u32 $0x4000, s31;
	s1 =	sadd.s32 s3, s30  }
0x31: {  	s0 =	sor.u32 s2, s0;
	s1 =	sshll.u32 s1, $0x11  }
0x32: {  	s0 =	sor.u32 s1, s0  }
0x33: {  	s0 =	sadd.s32 $0x8F2B, s0  }
0x34: {  	[sflag:s0] =	ssyncadd.remote.s32 $0x1  }
0x35: {  	_ =	sfence.sel $0xFFFF  }
0x36: {  	[dreg:$0x0] =	wrdreg $0xFFFFFFFF;
	(pc) =	sbr.abs _section_cstart, $3  }
0x37: {  	[dreg:$0x1] =	wrdreg $0xFFFFFFFF  }
0x38: {  	_ =	task.clear_ibuf [dreg:s6], $0x2FFFF;
	_ =	strace $0x9FFFFFFF  }
0x39: {  	(tm) =	ssettm $0x7FFFFFFF  }
tec
execute0_lowered:
.L_overlay_start_1:
0x0: {  	(tag) =	ssettag $0x1  }
0x1: {  	s0 =	stileid.u32;
	s1 =	srdreg.scid  }
0x2: {  	s4 =	rddreg [dreg:$0x0];
	s7 =	simm.s32 $0x1;
	s31 =	simm.s32 $0x2  }
0x3: {  	s16 =	simm.s32 $0x0;
	s2 =	sshll.u32 s0, $0x4;
	s1 =	sshll.u32 s1, $0x8  }
0x4: {  	s9 =	simm.s32 $0x4000;
	s14 =	simm.s32 $0x0;
	s1 =	sor.u32 s2, s1  }
0x5: {  	s15 =	simm.s32 $0x0;
	s10 =	simm.s32 $0x0;
	s2 =	sand.u32 $0x180, s1  }
0x6: {  	s13 =	simm.s32 $0x0;
	s3 =	sadd.s32 $0x1000, s4;
	s5 =	ssub.s32 $0x800, s2  }
0x7: {  	s4 =	sadd.s32 $0x401000, s4;
	s1 =	rddreg [dreg:$0x1];
	s6 =	sand.u32 $0x180, s5  }
.Ltmp0:
0x8: {  	_ =	strace $0x80000047;
	p0 =	sne.s32 s6, $0x0;
	(pc) =	sbr.rel .LBB1_1-.Ltmp0, $4  }
0x9: {  	s11 =	smov.u32 s2;
	s8 =	sshrl.u32 s5, $0x9;
	s7 =	simm.s32 @!p0 $0x0  }
0xa: {  	s5 =	sand.u32 $0x7, s0;
	s6 =	simm.s32 $0x1;
	s7 =	sadd.s32 s7, s8  }
0xb: {  	s12 =	smov.u32 s5;
	[sflag:s6] =	ssyncpa.u1 $0x0;
	s7 =	sshll.u32 s7, $0x4  }
0xc: {  	p0 =	por $0x0, $0x0;
	[sflag:s31] =	ssyncpa.u1 $0x0;
	s8 =	sor.u32 $0x1, s7  }
.LBB1_4:
0xd: {  	v5 =	vld [tilespmem:s19+$0xFFFFFFD0]  }
0xe: {  	[tilespmem:s20+$0x2040 ss:$0x81] =	vst.msk $0xffff, v1;
	v58 =	vld [tilespmem:s19+$0xFFFFFFE0]  }
0xf: {  	[tilespmem:s20+$0x2850 ss:$0x81] =	vst.msk $0xffff, v2;
	v59 =	vld [tilespmem:s19+$0xFFFFFFF0]  }
0x10: {  	s21 =	sshra.s32 s21, $0x2;
	[tilespmem:s20+$0x3060 ss:$0x81] =	vst.msk $0xffff, v3;
	v60 =	vld [tilespmem:s19+$0x0]  }
0x11: {  	[tilespmem:s20+$0x0 ss:$0x81] =	vst.msk $0xffff, v0;
	v61 =	vld [tilespmem:s19+$0x10];
	s18 =	sadd.s32 s21, s18  }
0x12: {  	s26 =	sshll.u32 s16, $0xB;
	v62 =	vld [tilespmem:s19+$0x20];
	[tilespmem:s18+$0x3870 ss:$0x81] =	vst.msk $0xffff, v4  }
0x13: {  	s27 =	sand.u32 $0x78, s14;
	s22 =	sshll.u32 s14, $0x3;
	v63 =	vld [tilespmem:s19+$0xFFFFFFC0];
	s29 =	sshll.u32 s16, $0x7;
	[tilespmem:s18+$0x810 ss:$0x81] =	vst.msk $0xffff, v5  }
0x14: {  	s15 =	sshll.u32 s15, $0x13;
	s20 =	sand.u32 $0x3FC000, s26;
	s28 =	sand.u32 $0x3FFC00, s22;
	[tilespmem:s18+$0x1020 ss:$0x81] =	vst.msk $0xffff, v58  }
0x15: {  	s31 =	sand.u32 $0x7, s14;
	s22 =	sand.u32 $0x400, s22;
	s19 =	sadd.s32 s28, s20;
	[tilespmem:s18+$0x1830 ss:$0x81] =	vst.msk $0xffff, v59  }
0x16: {  	s16 =	sand.u32 $0x380, s29;
	s30 =	sor.u32 s27, s22;
	s19 =	sshrl.u32 s19, $0x3;
	[tilespmem:s18+$0x2040 ss:$0x81] =	vst.msk $0xffff, v60  }
0x17: {  	s15 =	sadd.s32 s4, s15;
	s16 =	sor.u32 s16, s30;
	s19 =	sand.u32 $0x7FF00, s19;
	[tilespmem:s18+$0x2850 ss:$0x81] =	vst.msk $0xffff, v61  }
0x18: {  	s14 =	sshll.u32 s31, $0x12;
	s16 =	sshrl.u32 s16, $0x3;
	[tilespmem:s18+$0x3060 ss:$0x81] =	vst.msk $0xffff, v62;
	s15 =	sadd.s32 s19, s15  }
0x19: {  	s14 =	sor.u32 $0x400, s14;
	[tilespmem:s18+$0x0 ss:$0x81] =	vst.msk $0xffff, v63;
	s15 =	sadd.s32 s16, s15  }
0x1a: {  	[hbm4b:s15+s14] =	stream.strided.scatter [tilespmem:s17], [sflag:$0x2], $0x4000, s9, s14, $0x20;
	[tilespmem:$0x10100] =	vst v63  }
.LBB1_5:
0x1b: {  	s17 =	sadd.s32 $0x80, s10  }
0x1c: {  	s14 =	sadd.s32 $0x200, s11;
	s18 =	smov.u32 s11;
	p2 =	sgt.s32 s17, $0x7FF  }
0x1d: {  	s18 =	smov.u32 @p2 s14  }
0x1e: {  	s20 =	smov.u32 s12;
	s14 =	sadd.s32 $0x8, s12;
	p3 =	sgt.s32 s18, $0x7FF  }
0x1f: {  	s20 =	smov.u32 @p3 s14  }
0x20: {  	s17 =	simm.s32 @p2 $0x0;
	p2 =	sgt.s32 s20, $0x7  }
0x21: {  	p1 =	slt.u32 s13, $0x2;
	s20 =	smov.u32 @p2 s5;
	p2 =	sne.s32 s13, s8  }
.Ltmp1:
0x22: {  	s19 =	simm.s32 @!p1 $0x2;
	(pc) =	sbr.rel @!p2 .LBB1_6-.Ltmp1, $4  }
0x23: {  	s16 =	smov.u32 s10;
	s15 =	smov.u32 s12;
	_ =	swait.ge @!p1 [sflag:s19], $0x4000  }
0x24: {  	p0 =	por !p0, !p0;
	[sflag:s19] =	ssyncset.done @!p1 $0x0;
	s10 =	smov.u32 s17  }
0x25: {  	s18 =	smov.u32 @p3 s2;
	s14 =	smov.u32 s11;
	[sflag:s19] =	ssyncadd.s32 @!p1 $0xFFFFC000  }
0x26: {  	s11 =	smov.u32 s18;
	s13 =	sadd.s32 $0x1, s13;
	s12 =	smov.u32 s20  }
.LBB1_1:
0x27: {  	p1 =	sge.u32 s13, s7;
	s31 =	sadd.s32 $0xFFFFFFFF, s13  }
0x28: {  	s17 =	sxor.u32 @!p1 $0xFFFFFFFF, s13;
	s18 =	sand.u32 @!p1 $0x78, s10;
	s19 =	sshll.u32 @!p1 s11, $0xB  }
0x29: {  	s20 =	sshll.u32 @!p1 s11, $0x7;
	s21 =	sshll.u32 @!p1 s10, $0x3;
	s17 =	sshll.u32 @!p1 s17, $0xE  }
0x2a: {  	s19 =	sand.u32 @!p1 $0x3FC000, s19;
	s20 =	sand.u32 @!p1 $0x380, s20;
	s17 =	sand.u32 @!p1 $0x4000, s17  }
0x2b: {  	s19 =	sadd.s32 @!p1 s19, s21;
	s21 =	sand.u32 @!p1 $0x400, s21;
	s18 =	sor.u32 @!p1 s20, s18  }
0x2c: {  	s20 =	sshll.u32 @!p1 s12, $0x13;
	s18 =	sor.u32 @!p1 s21, s18;
	s19 =	sshrl.u32 @!p1 s19, $0x3  }
0x2d: {  	s20 =	sadd.s32 @!p1 s3, s20;
	s21 =	sand.u32 @!p1 $0x7, s10;
	s19 =	sand.u32 @!p1 $0x7FF00, s19  }
0x2e: {  	s18 =	sshrl.u32 @!p1 s18, $0x3;
	s19 =	sadd.s32 @!p1 s19, s20;
	s20 =	sshll.u32 @!p1 s21, $0x12  }
0x2f: {  	s18 =	sadd.s32 @!p1 s18, s19;
	s19 =	sor.u32 @!p1 $0x400, s20;
	s20 =	simm.s32 @!p1 $0x4000  }
0x30: {  	[tilespmem:s17], [sflag:$0x1] =	stream.strided.gather @!p1 [hbm4b:s18+s19], $0x4000, s20, s19, $0x38;
	[tilespmem:$0x10100] =	vst v63  }
0x31: {  	p1 =	sge.u32 s31, s7  }
.Ltmp2:
0x32: {  	_ = 	snop;
	(pc) =	sbr.rel @p1 .LBB1_5-.Ltmp2, $1  }
0x33: {  	_ =	sdelay $0x3  }
0x34: {  	s17 =	simm.s32 $0x1  }
0x35: {  	_ =	swait.ge [sflag:s6], $0x4000;
	s17 =	simm.s32 @!p0 $0x0  }
0x36: {  	[sflag:s6] =	ssyncset.done $0x0;
	s18 =	sshll.u32 s17, $0xE  }
0x37: {  	[sflag:s6] =	ssyncadd.s32 $0xFFFFC000;
	s19 =	sor.u32 $0x40, s18  }
0x38: {  	s17 =	smul.u32 $0x10200, s17;
	v0 =	vld [tilespmem:s19+$0x30]  }
0x39: {  	v3 =	vld [tilespmem:s19+$0xFFFFFFD0]  }
0x3a: {  	s17 =	sshrl.u32 s17, $0x2;
	v4 =	vld [tilespmem:s19+$0xFFFFFFE0]  }
0x3b: {  	v5 =	vld [tilespmem:s19+$0xFFFFFFF0];
	s18 =	sor.u32 $0x8000, s17  }
0x3c: {  	s31 =	sand.u32 $0x1, s13;
	v1 =	vld [tilespmem:s19+$0x0];
	s20 =	sadd.s32 $0x0, s18  }
0x3d: {  	v2 =	vld [tilespmem:s19+$0x10];
	s17 =	smul.u32 $0x10200, s31;
	[tilespmem:s20+$0x3870 ss:$0x81] =	vst.msk $0xffff, v0  }
0x3e: {  	[tilespmem:s20+$0x810 ss:$0x81] =	vst.msk $0xffff, v3;
	v3 =	vld [tilespmem:s19+$0x20]  }
0x3f: {  	s17 =	sshrl.u32 s17, $0x2;
	v0 =	vld [tilespmem:s19+$0xFFFFFFC0];
	[tilespmem:s20+$0x1020 ss:$0x81] =	vst.msk $0xffff, v4;
	s19 =	sadd.s32 $0x80, s19  }
0x40: {  	s21 =	simm.s32 $0x4;
	s22 =	simm.s32 $0x8;
	s17 =	sor.u32 $0x8000, s17;
	[tilespmem:s20+$0x1830 ss:$0x81] =	vst.msk $0xffff, v5;
	v4 =	vld [tilespmem:s19+$0x30]  }
.LBB1_3:
0x41: {  	p1 =	sne.s32 s22, $0x1FC;
	v5 =	vld [tilespmem:s19+$0xFFFFFFD0];
	[tilespmem:s20+$0x2040 ss:$0x81] =	vst.msk $0xffff, v1  }
0x42: {  	v6 =	vld [tilespmem:s19+$0xFFFFFFE0];
	[tilespmem:s20+$0x2850 ss:$0x81] =	vst.msk $0xffff, v2  }
0x43: {  	s23 =	sshra.s32 s21, $0x2;
	s21 =	smov.u32 s22;
	v7 =	vld [tilespmem:s19+$0xFFFFFFF0];
	[tilespmem:s20+$0x3060 ss:$0x81] =	vst.msk $0xffff, v3  }
.Ltmp3:
0x44: {  	v1 =	vld [tilespmem:s19+$0x0];
	[tilespmem:s20+$0x0 ss:$0x81] =	vst.msk $0xffff, v0;
	s20 =	sadd.s32 s23, s18;
	(pc) =	sbr.rel @p1 .LBB1_3-.Ltmp3, $4  }
0x45: {  	v2 =	vld [tilespmem:s19+$0x10];
	[tilespmem:s20+$0x3870 ss:$0x81] =	vst.msk $0xffff, v4  }
0x46: {  	[tilespmem:s20+$0x810 ss:$0x81] =	vst.msk $0xffff, v5;
	v3 =	vld [tilespmem:s19+$0x20]  }
0x47: {  	v0 =	vld [tilespmem:s19+$0xFFFFFFC0];
	[tilespmem:s20+$0x1020 ss:$0x81] =	vst.msk $0xffff, v6;
	s19 =	sadd.s32 $0x80, s19  }
0x48: {  	s22 =	sadd.s32 $0x4, s22;
	v4 =	vld [tilespmem:s19+$0x30];
	[tilespmem:s20+$0x1830 ss:$0x81] =	vst.msk $0xffff, v7  }
.Ltmp4:
0x49: {  	_ = 	snop;
	(pc) =	sbr.rel .LBB1_4-.Ltmp4, $1  }
0x4a: {  	_ =	sdelay $0x3  }
.LBB1_6:
0x4b: {  	_ =	sfence.sel $0x180000  }
0x4c: {  	s2 =	simm.s32 $0x1;
	[bflag:$0x0] =	sbarrier.arrive $0xFFFF  }
0x4d: {  	s31 =	simm.s32 $0x2;
	[sflag:s2] =	ssyncpa.u1 $0x1  }
0x4e: {  	[sflag:s31] =	ssyncpa.u1 $0x1  }
0x4f: {  	p0 =	sne.s32 s0, $0x0;
	_ =	strace $0x90000047  }
0x50: {  	s0 =	sadd.s32 @!p0 $0x100000, s1;
	[bflag:$0x2] =	sbarrier.arrive $0xFFFF  }
0x51: {  	[sflag:s0] =	ssyncadd.tile.s32 @!p0 $0x1;
	_ =	shalt  }
.Lfunc_end1:
_tile_overlayer_lowered:
.L_overlay_start_2:
0x52: {  	(tag) =	ssettag $0x2  }
0x53: {  	s0 =	rddreg [dreg:$0x0];
	s2 =	stileid.u32  }
0x54: {  	s1 =	rddreg [dreg:$0x1];
	p0 =	sne.s32 s2, $0x0  }
0x55: {  	s3 =	rddreg [dreg:$0x2];
	[bflag:$0x3] =	sbarrier.arrive $0xFFFF;
	s2 =	simm.s32 @!p0 $0x1C01  }
0x56: {  	[timem:s3], [sflag:s2] =	dma.local @!p0 [hbm:s0], s1  }
0x57: {  	s0 =	simm.s32 @!p0 $0x1  }
0x58: {  	_ =	swait.ge @!p0 [sflag:s0], s1  }
0x59: {  	s1 =	ssub.s32 @!p0 $0x0, s1;
	[sflag:s0] =	ssyncset.done @!p0 $0x0  }
0x5a: {  	[sflag:s0] =	ssyncadd.s32 @!p0 s1  }
0x5b: {  	[bflag:$0x3] =	sbarrier.arrive $0xFFFF  }
0x5c: {  	_ =	shalt  }

// kernel: sparse-core-data-format-call.7.cloned.1.call-start
scs
called_computation.7_lowered:
.L_overlay_start_0:
0x0: {  	s2 =	sld [smem:$0x3FD9]  }
0x1: {  	s3 =	sld [smem:$0x3FFE];
	_ =	sdelay $0x1  }
0x2: {  	s1 =	srdreg.scid  }
0x3: {  	s0 =	sand.u32 $0x1, s1  }
0x4: {  	s18 =	sshll.u32 s0, $0xA;
	s2 =	sadd.s32 s3, s2  }
0x5: {  	s2 =	sadd.s32 s2, s18  }
0x6: {  	[smem:$0x3FB2] =	sst s2  }
0x7: {  	_ = 	snop  }
0x8: {  	(tm) =	ssettm $0x1  }
0x9: {  	s19 =	sld [smem:$0x3FFB];
	_ =	sdelay $0x3  }
0xa: {  	_ =	strace s19  }
0xb: {  	s2 =	sld [smem:$0x3FFC];
	_ =	sdelay $0x3  }
0xc: {  	_ =	strace s2  }
0xd: {  	s2 =	sld [smem:$0x3FFD];
	_ =	sdelay $0x3  }
0xe: {  	_ =	strace s2  }
0xf: {  	_ =	strace $0x8FFFFFFF  }
0x10: {  	s20 =	sld [smem:$0x3FDB];
	_ =	sdelay $0x1  }
0x11: {  	s21 =	simm.s32 $_scs_section_size  }
0x12: {  	s4 =	simm.s32 $_size__tile_overlayer_lowered;
	s5 =	simm.s32 $_tile_overlayer_lowered  }
0x13: {  	s6 =	simm.s32 $0x1BFF;
	s22 =	sshll.u32 s5, $0x1;
	s3 =	sadd.s32 s21, s20  }
0x14: {  	s23 =	simm.s32 $0x0;
	s4 =	sshll.u32 s4, $0x1;
	s5 =	sadd.s32 s22, s3  }
0x15: {  	[timem:s23], [sflag:s6] =	dma.local [hbm:s5], s4  }
0x16: {  	_ =	swait.ge [sflag:s6], s4  }
0x17: {  	s4 =	ssub.s32 $0x0, s4;
	[sflag:s6] =	ssyncset.done $0x0  }
0x18: {  	[sflag:s6] =	ssyncadd.s32 s4;
	_ =	sdelay $0x1  }
0x19: {  	s24 =	simm.s32 $0x1B8B  }
0x1a: {  	_ =	swait.ge [sflag:s24], $0x1  }
0x1b: {  	[sflag:s24] =	ssyncset.done $0x0  }
0x1c: {  	[sflag:s24] =	ssyncadd.s32 $0xFFFFFFFF  }
0x1d: {  	s4 =	sld [smem:$0x0]  }
0x1e: {  	s5 =	sand.u32 $0xFFFFFFFE, s1  }
0x1f: {  	p0 =	sne.s32 s1, s5  }
0x20: {  	s5 =	sshll.u32 @p0 s5, $0xE  }
0x21: {  	s5 =	sadd.s32 @p0 $0x11B8D, s5;
	s6 =	sshll.u32 @p0 s4, $0x11  }
0x22: {  	s5 =	sor.u32 @p0 s6, s5  }
0x23: {  	[sflag:s5] =	ssyncadd.remote.s32 @p0 $0x1;
	_ =	sdelay $0x1  }
0x24: {  	s5 =	simm.s32 @p0 $0x1B8D  }
0x25: {  	_ =	swait.eq @p0 [sflag:s5], $0x1  }
0x26: {  	[sflag:s5] =	ssyncadd.s32 @p0 $0xFFFFFFFF  }
0x27: {  	s6 =	sshll.u32 @!p0 s1, $0xE  }
0x28: {  	s6 =	sor.u32 @!p0 $0x4000, s6;
	s5 =	simm.s32 @!p0 $0x1B8D  }
0x29: {  	s4 =	sshll.u32 @!p0 s4, $0x11;
	s6 =	sadd.s32 @!p0 $0x11B8D, s6;
	_ =	swait.eq @!p0 [sflag:s5], $0x1  }
0x2a: {  	s4 =	sor.u32 @!p0 s4, s6;
	[sflag:s5] =	ssyncadd.s32 @!p0 $0xFFFFFFFF  }
0x2b: {  	s26 =	simm.s32 $0x1B8E;
	s25 =	sld [smem:$0x3FFE];
	[sflag:s4] =	ssyncadd.remote.s32 @!p0 $0x1  }
0x2c: {  	s27 =	simm.s32 $execute0_lowered;
	[smem:$0x3FD2] =	sst s26  }
0x2d: {  	s5 =	sshll.u32 s27, $0x1;
	_ =	strace $0x80000052;
	[dreg:$0x1] =	wrdreg $0xFFFFFFFF  }
0x2e: {  	s28 =	simm.s32 $_size_execute0_lowered;
	s3 =	sadd.s32 s3, s5;
	[dreg:$0x0] =	wrdreg $0x0  }
0x2f: {  	s5 =	sshll.u32 s28, $0x1;
	[dreg:$0x2] =	wrdreg s3  }
0x30: {  	[dreg:$0x3] =	wrdreg s5  }
0x31: {  	[dreg:$0x4] =	wrdreg $0xC0  }
0x32: {  	_ =	task [dreg:s23], $0x5FFFF  }
0x33: {  	[dreg:$0x1] =	wrdreg $0xFFFFFFFF  }
0x34: {  	[dreg:$0x0] =	wrdreg $0x60  }
0x35: {  	[dreg:$0x2] =	wrdreg s25  }
0x36: {  	[dreg:$0x3] =	wrdreg $0xA  }
0x37: {  	_ =	task.clear_ibuf [dreg:s23], $0x4FFFF;
	_ =	strace $0x90000052  }
0x38: {  	s29 =	simm.s32 $0xA;
	_ =	strace $0x80000054  }
0x39: {  	_ =	swait.ge [sflag:s29], $0x1  }
0x3a: {  	[sflag:s29] =	ssyncadd.s32 $0xFFFFFFFF  }
0x3b: {  	_ =	strace $0x90000054  }
0x3c: {  	_ =	sfence  }
0x3d: {  	s30 =	sld [smem:$0x0];
	_ =	sdelay $0x2  }
0x3e: {  	s31 =	sshll.u32 s1, $0xD;
	s1 =	sshrl.u32 s1, $0x2  }
0x3f: {  	s4 =	sand.u32 $0x4000, s31;
	s1 =	sadd.s32 s1, s30  }
0x40: {  	s0 =	sor.u32 s4, s0;
	s1 =	sshll.u32 s1, $0x11  }
0x41: {  	s0 =	sor.u32 s1, s0  }
0x42: {  	s0 =	sadd.s32 $0x8F2B, s0  }
0x43: {  	[sflag:s0] =	ssyncadd.remote.s32 $0x1  }
0x44: {  	_ =	sfence.sel $0xFFFF  }
0x45: {  	[dreg:$0x0] =	wrdreg $0xFFFFFFFF;
	(pc) =	sbr.abs _section_cstart, $3  }
0x46: {  	[dreg:$0x1] =	wrdreg $0xFFFFFFFF  }
0x47: {  	_ =	task.clear_ibuf [dreg:s23], $0x2FFFF;
	_ =	strace $0x9FFFFFFF  }
0x48: {  	(tm) =	ssettm $0x7FFFFFFF  }
0x49: {  	_ =	shalt  }
tec
execute0_lowered:
.L_overlay_start_1:
0x0: {  	(tag) =	ssettag $0x1  }
0x1: {  	s0 =	stileid.u32  }
0x2: {  	s1 =	srdreg.scid;
	s4 =	rddreg [dreg:$0x0]  }
0x3: {  	s7 =	simm.s32 $0x1;
	s8 =	simm.s32 $0x2;
	s17 =	simm.s32 $0x0  }
0x4: {  	s9 =	simm.s32 $0x10000;
	s2 =	sshll.u32 s0, $0x4;
	s1 =	sshll.u32 s1, $0x8  }
0x5: {  	s16 =	simm.s32 $0x0;
	s15 =	simm.s32 $0x0;
	s1 =	sor.u32 s2, s1  }
0x6: {  	s18 =	simm.s32 $0x0;
	s10 =	simm.s32 $0x0;
	s2 =	sand.u32 $0x180, s1  }
0x7: {  	s11 =	simm.s32 $0x0;
	s14 =	simm.s32 $0x0;
	s6 =	ssub.s32 $0x800, s2  }
0x8: {  	s3 =	sadd.s32 $0x421000, s4;
	s4 =	sadd.s32 $0xC61000, s4;
	s5 =	sand.u32 $0x180, s6  }
.Ltmp0:
0x9: {  	s1 =	rddreg [dreg:$0x1];
	p0 =	sne.s32 s5, $0x0;
	(pc) =	sbr.rel .LBB1_1-.Ltmp0, $4  }
0xa: {  	_ =	strace $0x80000053;
	s6 =	sshrl.u32 s6, $0x9;
	s7 =	simm.s32 @!p0 $0x0  }
0xb: {  	s12 =	smov.u32 s2;
	s5 =	simm.s32 $0x1;
	s7 =	sadd.s32 s7, s6  }
0xc: {  	[sflag:s5] =	ssyncpa.u1 $0x0;
	s6 =	sand.u32 $0x7, s0;
	s7 =	sshll.u32 s7, $0x2  }
0xd: {  	[sflag:s8] =	ssyncpa.u1 $0x0;
	s13 =	smov.u32 s6;
	s8 =	sor.u32 $0x1, s7  }
.LBB1_7:
0xe: {  	s19 =	sadd.s32 $0x8, s10  }
0xf: {  	s15 =	sadd.s32 $0x10, s11;
	s20 =	smov.u32 s11;
	p1 =	sgt.s32 s19, $0x1F  }
0x10: {  	s20 =	smov.u32 @p1 s15  }
0x11: {  	s21 =	smov.u32 s12;
	s15 =	sadd.s32 $0x200, s12;
	p2 =	sgt.s32 s20, $0xF  }
0x12: {  	s21 =	smov.u32 @p2 s15  }
0x13: {  	s22 =	smov.u32 s13;
	s15 =	sadd.s32 $0x8, s13;
	p3 =	sgt.s32 s21, $0x7FF  }
0x14: {  	s22 =	smov.u32 @p3 s15  }
0x15: {  	p0 =	slt.u32 s14, $0x2;
	s19 =	simm.s32 @p1 $0x0;
	p1 =	sgt.s32 s22, $0x7  }
0x16: {  	s23 =	simm.s32 @!p0 $0x2;
	s22 =	smov.u32 @p1 s6;
	p1 =	sne.s32 s14, s8  }
.Ltmp1:
0x17: {  	s17 =	smov.u32 s10;
	_ =	swait.ge @!p0 [sflag:s23], $0x4000;
	(pc) =	sbr.rel @!p1 .LBB1_8-.Ltmp1, $4  }
0x18: {  	s16 =	smov.u32 s11;
	s18 =	smov.u32 s13;
	[sflag:s23] =	ssyncset.done @!p0 $0x0  }
0x19: {  	s10 =	smov.u32 s19;
	s20 =	simm.s32 @p2 $0x0;
	[sflag:s23] =	ssyncadd.s32 @!p0 $0xFFFFC000  }
0x1a: {  	s11 =	smov.u32 s20;
	s21 =	smov.u32 @p3 s2;
	s15 =	smov.u32 s12  }
0x1b: {  	s12 =	smov.u32 s21;
	s14 =	sadd.s32 $0x1, s14;
	s13 =	smov.u32 s22  }
.LBB1_1:
0x1c: {  	p0 =	sge.u32 s14, s7;
	s31 =	sadd.s32 $0xFFFFFFFF, s14  }
0x1d: {  	s19 =	sshll.u32 @!p0 s11, $0x7;
	s20 =	sshll.u32 @!p0 s10, $0x3;
	s22 =	sxor.u32 @!p0 $0xFFFFFFFF, s14  }
0x1e: {  	s23 =	sshrl.u32 @!p0 s10, $0x3;
	s21 =	sand.u32 @!p0 $0x400, s19;
	s20 =	sand.u32 @!p0 $0x400, s20  }
0x1f: {  	s19 =	sand.u32 @!p0 $0x380, s19;
	s20 =	sadd.s32 @!p0 s21, s20;
	s21 =	sshll.u32 @!p0 s22, $0xE  }
0x20: {  	s19 =	sor.u32 @!p0 s19, s20;
	s20 =	sand.u32 @!p0 $0x4000, s21;
	s21 =	sshll.u32 @!p0 s13, $0x13  }
0x21: {  	s23 =	sand.u32 @!p0 $0xF, s23;
	s22 =	sshll.u32 @!p0 s12, $0x8;
	s21 =	sadd.s32 @!p0 s3, s21  }
0x22: {  	s19 =	sshrl.u32 @!p0 s19, $0x3;
	s21 =	sadd.s32 @!p0 s22, s21;
	s22 =	sand.u32 @!p0 $0x7, s10  }
0x23: {  	s19 =	sand.u32 @!p0 $0xF0, s19;
	s21 =	sadd.s32 @!p0 s23, s21;
	s22 =	sshll.u32 @!p0 s22, $0x12  }
0x24: {  	s19 =	sadd.s32 @!p0 s19, s21;
	s21 =	sor.u32 @!p0 $0x8, s22;
	s22 =	simm.s32 @!p0 $0x80  }
0x25: {  	[tilespmem:s20], [sflag:$0x1] =	stream.strided.gather @!p0 [hbm4b:s19+s21], $0x4000, s22, s21, $0x38;
	[tilespmem:$0x10100] =	vst v63  }
0x26: {  	p0 =	sge.u32 s31, s7  }
.Ltmp2:
0x27: {  	_ = 	snop;
	(pc) =	sbr.rel @p0 .LBB1_7-.Ltmp2, $1  }
0x28: {  	_ =	sdelay $0x3  }
0x29: {  	s19 =	sand.u32 $0x1, s14  }
0x2a: {  	_ =	swait.ge [sflag:s5], $0x4000;
	s20 =	smul.u32 $0x10200, s19  }
0x2b: {  	[sflag:s5] =	ssyncset.done $0x0  }
0x2c: {  	[sflag:s5] =	ssyncadd.s32 $0xFFFFC000;
	s21 =	sshrl.u32 s20, $0x2  }
0x2d: {  	s20 =	sshll.u32 s19, $0xE;
	s19 =	sor.u32 $0x8000, s21;
	s21 =	simm.s32 $0x0  }
.LBB1_3:
0x2e: {  	s22 =	sshll.u32 s21, $0x7  }
0x2f: {  	s22 =	sand.u32 $0x3FFFFF80, s22  }
0x30: {  	s22 =	sadd.s32 s22, s20  }
0x31: {  	v0 =	vmov s22;
	_ =	sdelay $0x1  }
0x32: {  	p0 =	por $0x1, $0x1;
	s22 =	simm.s32 $0x0  }
.LBB1_4:
0x33: {  	s23 =	sshll.u32 s22, $0x3  }
0x34: {  	s23 =	sand.u32 $0x3FFFFFF8, s23  }
0x35: {  	s31 =	smul.u32 $0x1020, s22;
	v1 =	vld.idx.msk [tilespmem:v0+s23+$0x0 ss:$0x1], $0xff;
	_ =	sdelay $0x1  }
0x36: {  	s22 =	sshra.s32 s31, $0x2  }
0x37: {  	s22 =	sadd.s32 s22, s19  }
0x38: {  	s22 =	sadd.s32 s21, s22  }
0x39: {  	[tilespmem:s22+$0x0 ss:$0x81] =	vst.msk $0xff, v1  }
0x3a: {  	v1 =	vld.idx.msk [tilespmem:v0+s23+$0x8 ss:$0x1], $0xff;
	_ =	sdelay $0x4  }
0x3b: {  	[tilespmem:s22+$0x408 ss:$0x81] =	vst.msk $0xff, v1  }
0x3c: {  	v1 =	vld.idx.msk [tilespmem:v0+s23+$0x10 ss:$0x1], $0xff;
	_ =	sdelay $0x4  }
0x3d: {  	[tilespmem:s22+$0x810 ss:$0x81] =	vst.msk $0xff, v1  }
0x3e: {  	v1 =	vld.idx.msk [tilespmem:v0+s23+$0x18 ss:$0x1], $0xff;
	_ =	sdelay $0x4  }
0x3f: {  	[tilespmem:s22+$0xC18 ss:$0x81] =	vst.msk $0xff, v1  }
0x40: {  	v1 =	vld.idx.msk [tilespmem:v0+s23+$0x20 ss:$0x1], $0xff;
	_ =	sdelay $0x4  }
0x41: {  	[tilespmem:s22+$0x1020 ss:$0x81] =	vst.msk $0xff, v1  }
0x42: {  	v1 =	vld.idx.msk [tilespmem:v0+s23+$0x28 ss:$0x1], $0xff;
	_ =	sdelay $0x4  }
0x43: {  	[tilespmem:s22+$0x1428 ss:$0x81] =	vst.msk $0xff, v1  }
0x44: {  	v1 =	vld.idx.msk [tilespmem:v0+s23+$0x30 ss:$0x1], $0xff;
	_ =	sdelay $0x4  }
0x45: {  	[tilespmem:s22+$0x1830 ss:$0x81] =	vst.msk $0xff, v1  }
0x46: {  	p1 =	por p0, p0;
	v1 =	vld.idx.msk [tilespmem:v0+s23+$0x38 ss:$0x1], $0xff  }
.Ltmp3:
0x47: {  	_ = 	snop;
	(pc) =	sbr.rel @p1 .LBB1_4-.Ltmp3, $2  }
0x48: {  	_ =	sdelay $0x2  }
0x49: {  	p0 =	por $0x0, $0x0;
	[tilespmem:s22+$0x1C38 ss:$0x81] =	vst.msk $0xff, v1;
	s22 =	simm.s32 $0x8  }
0x4a: {  	s21 =	sadd.s32 $0x1, s21  }
0x4b: {  	p0 =	sne.s32 s21, $0x80  }
.Ltmp4:
0x4c: {  	_ = 	snop;
	(pc) =	sbr.rel @p0 .LBB1_3-.Ltmp4, $1  }
0x4d: {  	_ =	sdelay $0x3  }
0x4e: {  	s20 =	sand.u32 $0x78, s15  }
0x4f: {  	s21 =	sshll.u32 s17, $0xB;
	s22 =	sshll.u32 s15, $0x3;
	s29 =	sshll.u32 s17, $0x7  }
0x50: {  	s18 =	sshll.u32 s18, $0x11;
	s16 =	sshll.u32 s16, $0xD;
	s31 =	sand.u32 $0x7, s15  }
0x51: {  	s21 =	sand.u32 $0xC000, s21;
	s23 =	sand.u32 $0x400, s22;
	s22 =	sand.u32 $0xFC00, s22  }
0x52: {  	s17 =	sand.u32 $0x380, s29;
	s18 =	sadd.s32 s4, s18;
	s21 =	sadd.s32 s22, s21  }
.Ltmp5:
0x53: {  	s20 =	sor.u32 s20, s23;
	s30 =	sshrl.u32 s21, $0x3;
	(pc) =	sbr.rel .LBB1_7-.Ltmp5, $4  }
0x54: {  	s16 =	sadd.s32 s16, s18;
	s17 =	sor.u32 s17, s20;
	s20 =	sand.u32 $0x1F00, s30  }
0x55: {  	s15 =	sshll.u32 s31, $0x12;
	s17 =	sshrl.u32 s17, $0x3;
	s16 =	sadd.s32 s20, s16  }
0x56: {  	s15 =	sor.u32 $0x400, s15;
	s16 =	sadd.s32 s17, s16  }
0x57: {  	[hbm4b:s16+s15] =	stream.strided.scatter [tilespmem:s19], [sflag:$0x2], $0x4000, s9, s15, $0x20;
	[tilespmem:$0x10100] =	vst v63  }
.LBB1_8:
0x58: {  	_ =	sfence.sel $0x180000  }
0x59: {  	s2 =	simm.s32 $0x1;
	[bflag:$0x0] =	sbarrier.arrive $0xFFFF  }
0x5a: {  	s31 =	simm.s32 $0x2;
	[sflag:s2] =	ssyncpa.u1 $0x1  }
0x5b: {  	[sflag:s31] =	ssyncpa.u1 $0x1  }
0x5c: {  	p0 =	sne.s32 s0, $0x0;
	_ =	strace $0x90000053  }
0x5d: {  	s0 =	sadd.s32 @!p0 $0x100000, s1;
	[bflag:$0x2] =	sbarrier.arrive $0xFFFF  }
0x5e: {  	[sflag:s0] =	ssyncadd.tile.s32 @!p0 $0x1;
	_ =	shalt  }
.Lfunc_end1:
_tile_overlayer_lowered:
.L_overlay_start_2:
0x5f: {  	(tag) =	ssettag $0x2  }
0x60: {  	s0 =	rddreg [dreg:$0x0];
	s2 =	stileid.u32  }
0x61: {  	s1 =	rddreg [dreg:$0x1];
	p0 =	sne.s32 s2, $0x0  }
0x62: {  	s3 =	rddreg [dreg:$0x2];
	[bflag:$0x3] =	sbarrier.arrive $0xFFFF;
	s2 =	simm.s32 @!p0 $0x1C01  }
0x63: {  	[timem:s3], [sflag:s2] =	dma.local @!p0 [hbm:s0], s1  }
0x64: {  	s0 =	simm.s32 @!p0 $0x1  }
0x65: {  	_ =	swait.ge @!p0 [sflag:s0], s1  }
0x66: {  	s1 =	ssub.s32 @!p0 $0x0, s1;
	[sflag:s0] =	ssyncset.done @!p0 $0x0  }
0x67: {  	[sflag:s0] =	ssyncadd.s32 @!p0 s1  }
0x68: {  	[bflag:$0x3] =	sbarrier.arrive $0xFFFF  }
0x69: {  	_ =	shalt  }

// kernel: sparse-core-data-format-call.8.cloned.1.call-start
scs
called_computation.8_lowered:
.L_overlay_start_0:
0x0: {  	s1 =	sld [smem:$0x3FD9]  }
0x1: {  	s2 =	sld [smem:$0x3FFE];
	_ =	sdelay $0x1  }
0x2: {  	s3 =	srdreg.scid  }
0x3: {  	s0 =	sand.u32 $0x1, s3  }
0x4: {  	s17 =	sshll.u32 s0, $0xA;
	s1 =	sadd.s32 s2, s1  }
0x5: {  	s1 =	sadd.s32 s1, s17  }
0x6: {  	[smem:$0x3FB2] =	sst s1  }
0x7: {  	_ = 	snop  }
0x8: {  	(tm) =	ssettm $0x1  }
0x9: {  	s18 =	sld [smem:$0x3FFB];
	_ =	sdelay $0x3  }
0xa: {  	_ =	strace s18  }
0xb: {  	s1 =	sld [smem:$0x3FFC];
	_ =	sdelay $0x3  }
0xc: {  	_ =	strace s1  }
0xd: {  	s1 =	sld [smem:$0x3FFD];
	_ =	sdelay $0x3  }
0xe: {  	_ =	strace s1  }
0xf: {  	_ =	strace $0x8FFFFFFF  }
0x10: {  	s19 =	sld [smem:$0x3FDB];
	_ =	sdelay $0x1  }
0x11: {  	s20 =	simm.s32 $_scs_section_size  }
0x12: {  	s4 =	simm.s32 $_size__tile_overlayer_lowered;
	s5 =	simm.s32 $_tile_overlayer_lowered  }
0x13: {  	s23 =	simm.s32 $0x1BFF;
	s22 =	sshll.u32 s5, $0x1;
	s1 =	sadd.s32 s20, s19  }
0x14: {  	s6 =	simm.s32 $0x0;
	s21 =	sshll.u32 s4, $0x1;
	s4 =	sadd.s32 s22, s1  }
0x15: {  	[timem:s6], [sflag:s23] =	dma.local [hbm:s4], s21  }
0x16: {  	_ =	swait.ge [sflag:s23], s21  }
0x17: {  	s2 =	ssub.s32 $0x0, s21;
	[sflag:s23] =	ssyncset.done $0x0  }
0x18: {  	[sflag:s23] =	ssyncadd.s32 s2;
	_ =	sdelay $0x1  }
0x19: {  	s24 =	simm.s32 $0x1B8B  }
0x1a: {  	_ =	swait.ge [sflag:s24], $0x1  }
0x1b: {  	[sflag:s24] =	ssyncset.done $0x0  }
0x1c: {  	s26 =	simm.s32 $0x1B8E;
	s25 =	sld [smem:$0x3FFE];
	[sflag:s24] =	ssyncadd.s32 $0xFFFFFFFF  }
0x1d: {  	s27 =	simm.s32 $execute0_lowered;
	[smem:$0x3FD2] =	sst s26  }
0x1e: {  	s4 =	sshll.u32 s27, $0x1;
	_ =	strace $0x8000004C;
	[dreg:$0x1] =	wrdreg $0xFFFFFFFF  }
0x1f: {  	s28 =	simm.s32 $_size_execute0_lowered;
	s1 =	sadd.s32 s1, s4;
	[dreg:$0x0] =	wrdreg $0x0  }
0x20: {  	s4 =	sshll.u32 s28, $0x1;
	[dreg:$0x2] =	wrdreg s1  }
0x21: {  	[dreg:$0x3] =	wrdreg s4  }
0x22: {  	[dreg:$0x4] =	wrdreg $0xC0  }
0x23: {  	_ =	task [dreg:s6], $0x5FFFF  }
0x24: {  	[dreg:$0x1] =	wrdreg $0xFFFFFFFF  }
0x25: {  	[dreg:$0x0] =	wrdreg $0x60  }
0x26: {  	[dreg:$0x2] =	wrdreg s25  }
0x27: {  	[dreg:$0x3] =	wrdreg $0xA  }
0x28: {  	_ =	task.clear_ibuf [dreg:s6], $0x4FFFF;
	_ =	strace $0x9000004C  }
0x29: {  	s29 =	simm.s32 $0xA;
	_ =	strace $0x8000004E  }
0x2a: {  	_ =	swait.ge [sflag:s29], $0x1  }
0x2b: {  	[sflag:s29] =	ssyncadd.s32 $0xFFFFFFFF  }
0x2c: {  	_ =	strace $0x9000004E  }
0x2d: {  	_ =	sfence  }
0x2e: {  	s30 =	sld [smem:$0x0];
	_ =	sdelay $0x2  }
0x2f: {  	s31 =	sshll.u32 s3, $0xD;
	s3 =	sshrl.u32 s3, $0x2  }
0x30: {  	s2 =	sand.u32 $0x4000, s31;
	s1 =	sadd.s32 s3, s30  }
0x31: {  	s0 =	sor.u32 s2, s0;
	s1 =	sshll.u32 s1, $0x11  }
0x32: {  	s0 =	sor.u32 s1, s0  }
0x33: {  	s0 =	sadd.s32 $0x8F2B, s0  }
0x34: {  	[sflag:s0] =	ssyncadd.remote.s32 $0x1  }
0x35: {  	_ =	sfence.sel $0xFFFF  }
0x36: {  	[dreg:$0x0] =	wrdreg $0xFFFFFFFF;
	(pc) =	sbr.abs _section_cstart, $3  }
0x37: {  	[dreg:$0x1] =	wrdreg $0xFFFFFFFF  }
0x38: {  	_ =	task.clear_ibuf [dreg:s6], $0x2FFFF;
	_ =	strace $0x9FFFFFFF  }
0x39: {  	(tm) =	ssettm $0x7FFFFFFF  }
tec
execute0_lowered:
.L_overlay_start_1:
0x0: {  	(tag) =	ssettag $0x1  }
0x1: {  	s0 =	stileid.u32;
	s1 =	srdreg.scid  }
0x2: {  	s4 =	rddreg [dreg:$0x0];
	s7 =	simm.s32 $0x1;
	s31 =	simm.s32 $0x2  }
0x3: {  	s16 =	simm.s32 $0x0;
	s2 =	sshll.u32 s0, $0x4;
	s1 =	sshll.u32 s1, $0x8  }
0x4: {  	s9 =	simm.s32 $0x4000;
	s14 =	simm.s32 $0x0;
	s1 =	sor.u32 s2, s1  }
0x5: {  	s15 =	simm.s32 $0x0;
	s10 =	simm.s32 $0x0;
	s2 =	sand.u32 $0x180, s1  }
0x6: {  	s13 =	simm.s32 $0x0;
	s3 =	sadd.s32 $0x421000, s4;
	s5 =	ssub.s32 $0x800, s2  }
0x7: {  	s4 =	sadd.s32 $0x821000, s4;
	s1 =	rddreg [dreg:$0x1];
	s6 =	sand.u32 $0x180, s5  }
.Ltmp0:
0x8: {  	_ =	strace $0x8000004D;
	p0 =	sne.s32 s6, $0x0;
	(pc) =	sbr.rel .LBB1_1-.Ltmp0, $4  }
0x9: {  	s11 =	smov.u32 s2;
	s8 =	sshrl.u32 s5, $0x9;
	s7 =	simm.s32 @!p0 $0x0  }
0xa: {  	s5 =	sand.u32 $0x7, s0;
	s6 =	simm.s32 $0x1;
	s7 =	sadd.s32 s7, s8  }
0xb: {  	s12 =	smov.u32 s5;
	[sflag:s6] =	ssyncpa.u1 $0x0;
	s7 =	sshll.u32 s7, $0x4  }
0xc: {  	p0 =	por $0x0, $0x0;
	[sflag:s31] =	ssyncpa.u1 $0x0;
	s8 =	sor.u32 $0x1, s7  }
.LBB1_4:
0xd: {  	v5 =	vld [tilespmem:s19+$0xFFFFFFD0]  }
0xe: {  	[tilespmem:s20+$0x2040 ss:$0x81] =	vst.msk $0xffff, v1;
	v58 =	vld [tilespmem:s19+$0xFFFFFFE0]  }
0xf: {  	[tilespmem:s20+$0x2850 ss:$0x81] =	vst.msk $0xffff, v2;
	v59 =	vld [tilespmem:s19+$0xFFFFFFF0]  }
0x10: {  	s21 =	sshra.s32 s21, $0x2;
	[tilespmem:s20+$0x3060 ss:$0x81] =	vst.msk $0xffff, v3;
	v60 =	vld [tilespmem:s19+$0x0]  }
0x11: {  	[tilespmem:s20+$0x0 ss:$0x81] =	vst.msk $0xffff, v0;
	v61 =	vld [tilespmem:s19+$0x10];
	s18 =	sadd.s32 s21, s18  }
0x12: {  	s26 =	sshll.u32 s16, $0xB;
	v62 =	vld [tilespmem:s19+$0x20];
	[tilespmem:s18+$0x3870 ss:$0x81] =	vst.msk $0xffff, v4  }
0x13: {  	s27 =	sand.u32 $0x78, s14;
	s22 =	sshll.u32 s14, $0x3;
	v63 =	vld [tilespmem:s19+$0xFFFFFFC0];
	s29 =	sshll.u32 s16, $0x7;
	[tilespmem:s18+$0x810 ss:$0x81] =	vst.msk $0xffff, v5  }
0x14: {  	s15 =	sshll.u32 s15, $0x13;
	s20 =	sand.u32 $0x3FC000, s26;
	s28 =	sand.u32 $0x3FFC00, s22;
	[tilespmem:s18+$0x1020 ss:$0x81] =	vst.msk $0xffff, v58  }
0x15: {  	s31 =	sand.u32 $0x7, s14;
	s22 =	sand.u32 $0x400, s22;
	s19 =	sadd.s32 s28, s20;
	[tilespmem:s18+$0x1830 ss:$0x81] =	vst.msk $0xffff, v59  }
0x16: {  	s16 =	sand.u32 $0x380, s29;
	s30 =	sor.u32 s27, s22;
	s19 =	sshrl.u32 s19, $0x3;
	[tilespmem:s18+$0x2040 ss:$0x81] =	vst.msk $0xffff, v60  }
0x17: {  	s15 =	sadd.s32 s4, s15;
	s16 =	sor.u32 s16, s30;
	s19 =	sand.u32 $0x7FF00, s19;
	[tilespmem:s18+$0x2850 ss:$0x81] =	vst.msk $0xffff, v61  }
0x18: {  	s14 =	sshll.u32 s31, $0x12;
	s16 =	sshrl.u32 s16, $0x3;
	[tilespmem:s18+$0x3060 ss:$0x81] =	vst.msk $0xffff, v62;
	s15 =	sadd.s32 s19, s15  }
0x19: {  	s14 =	sor.u32 $0x400, s14;
	[tilespmem:s18+$0x0 ss:$0x81] =	vst.msk $0xffff, v63;
	s15 =	sadd.s32 s16, s15  }
0x1a: {  	[hbm4b:s15+s14] =	stream.strided.scatter [tilespmem:s17], [sflag:$0x2], $0x4000, s9, s14, $0x20;
	[tilespmem:$0x10100] =	vst v63  }
.LBB1_5:
0x1b: {  	s17 =	sadd.s32 $0x80, s10  }
0x1c: {  	s14 =	sadd.s32 $0x200, s11;
	s18 =	smov.u32 s11;
	p2 =	sgt.s32 s17, $0x7FF  }
0x1d: {  	s18 =	smov.u32 @p2 s14  }
0x1e: {  	s20 =	smov.u32 s12;
	s14 =	sadd.s32 $0x8, s12;
	p3 =	sgt.s32 s18, $0x7FF  }
0x1f: {  	s20 =	smov.u32 @p3 s14  }
0x20: {  	s17 =	simm.s32 @p2 $0x0;
	p2 =	sgt.s32 s20, $0x7  }
0x21: {  	p1 =	slt.u32 s13, $0x2;
	s20 =	smov.u32 @p2 s5;
	p2 =	sne.s32 s13, s8  }
.Ltmp1:
0x22: {  	s19 =	simm.s32 @!p1 $0x2;
	(pc) =	sbr.rel @!p2 .LBB1_6-.Ltmp1, $4  }
0x23: {  	s16 =	smov.u32 s10;
	s15 =	smov.u32 s12;
	_ =	swait.ge @!p1 [sflag:s19], $0x4000  }
0x24: {  	p0 =	por !p0, !p0;
	[sflag:s19] =	ssyncset.done @!p1 $0x0;
	s10 =	smov.u32 s17  }
0x25: {  	s18 =	smov.u32 @p3 s2;
	s14 =	smov.u32 s11;
	[sflag:s19] =	ssyncadd.s32 @!p1 $0xFFFFC000  }
0x26: {  	s11 =	smov.u32 s18;
	s13 =	sadd.s32 $0x1, s13;
	s12 =	smov.u32 s20  }
.LBB1_1:
0x27: {  	p1 =	sge.u32 s13, s7;
	s31 =	sadd.s32 $0xFFFFFFFF, s13  }
0x28: {  	s17 =	sxor.u32 @!p1 $0xFFFFFFFF, s13;
	s18 =	sand.u32 @!p1 $0x78, s10;
	s19 =	sshll.u32 @!p1 s11, $0xB  }
0x29: {  	s20 =	sshll.u32 @!p1 s11, $0x7;
	s21 =	sshll.u32 @!p1 s10, $0x3;
	s17 =	sshll.u32 @!p1 s17, $0xE  }
0x2a: {  	s19 =	sand.u32 @!p1 $0x3FC000, s19;
	s20 =	sand.u32 @!p1 $0x380, s20;
	s17 =	sand.u32 @!p1 $0x4000, s17  }
0x2b: {  	s19 =	sadd.s32 @!p1 s19, s21;
	s21 =	sand.u32 @!p1 $0x400, s21;
	s18 =	sor.u32 @!p1 s20, s18  }
0x2c: {  	s20 =	sshll.u32 @!p1 s12, $0x13;
	s18 =	sor.u32 @!p1 s21, s18;
	s19 =	sshrl.u32 @!p1 s19, $0x3  }
0x2d: {  	s20 =	sadd.s32 @!p1 s3, s20;
	s21 =	sand.u32 @!p1 $0x7, s10;
	s19 =	sand.u32 @!p1 $0x7FF00, s19  }
0x2e: {  	s18 =	sshrl.u32 @!p1 s18, $0x3;
	s19 =	sadd.s32 @!p1 s19, s20;
	s20 =	sshll.u32 @!p1 s21, $0x12  }
0x2f: {  	s18 =	sadd.s32 @!p1 s18, s19;
	s19 =	sor.u32 @!p1 $0x400, s20;
	s20 =	simm.s32 @!p1 $0x4000  }
0x30: {  	[tilespmem:s17], [sflag:$0x1] =	stream.strided.gather @!p1 [hbm4b:s18+s19], $0x4000, s20, s19, $0x38;
	[tilespmem:$0x10100] =	vst v63  }
0x31: {  	p1 =	sge.u32 s31, s7  }
.Ltmp2:
0x32: {  	_ = 	snop;
	(pc) =	sbr.rel @p1 .LBB1_5-.Ltmp2, $1  }
0x33: {  	_ =	sdelay $0x3  }
0x34: {  	s17 =	simm.s32 $0x1  }
0x35: {  	_ =	swait.ge [sflag:s6], $0x4000;
	s17 =	simm.s32 @!p0 $0x0  }
0x36: {  	[sflag:s6] =	ssyncset.done $0x0;
	s18 =	sshll.u32 s17, $0xE  }
0x37: {  	[sflag:s6] =	ssyncadd.s32 $0xFFFFC000;
	s19 =	sor.u32 $0x40, s18  }
0x38: {  	s17 =	smul.u32 $0x10200, s17;
	v0 =	vld [tilespmem:s19+$0x30]  }
0x39: {  	v3 =	vld [tilespmem:s19+$0xFFFFFFD0]  }
0x3a: {  	s17 =	sshrl.u32 s17, $0x2;
	v4 =	vld [tilespmem:s19+$0xFFFFFFE0]  }
0x3b: {  	v5 =	vld [tilespmem:s19+$0xFFFFFFF0];
	s18 =	sor.u32 $0x8000, s17  }
0x3c: {  	s31 =	sand.u32 $0x1, s13;
	v1 =	vld [tilespmem:s19+$0x0];
	s20 =	sadd.s32 $0x0, s18  }
0x3d: {  	v2 =	vld [tilespmem:s19+$0x10];
	s17 =	smul.u32 $0x10200, s31;
	[tilespmem:s20+$0x3870 ss:$0x81] =	vst.msk $0xffff, v0  }
0x3e: {  	[tilespmem:s20+$0x810 ss:$0x81] =	vst.msk $0xffff, v3;
	v3 =	vld [tilespmem:s19+$0x20]  }
0x3f: {  	s17 =	sshrl.u32 s17, $0x2;
	v0 =	vld [tilespmem:s19+$0xFFFFFFC0];
	[tilespmem:s20+$0x1020 ss:$0x81] =	vst.msk $0xffff, v4;
	s19 =	sadd.s32 $0x80, s19  }
0x40: {  	s21 =	simm.s32 $0x4;
	s22 =	simm.s32 $0x8;
	s17 =	sor.u32 $0x8000, s17;
	[tilespmem:s20+$0x1830 ss:$0x81] =	vst.msk $0xffff, v5;
	v4 =	vld [tilespmem:s19+$0x30]  }
.LBB1_3:
0x41: {  	p1 =	sne.s32 s22, $0x1FC;
	v5 =	vld [tilespmem:s19+$0xFFFFFFD0];
	[tilespmem:s20+$0x2040 ss:$0x81] =	vst.msk $0xffff, v1  }
0x42: {  	v6 =	vld [tilespmem:s19+$0xFFFFFFE0];
	[tilespmem:s20+$0x2850 ss:$0x81] =	vst.msk $0xffff, v2  }
0x43: {  	s23 =	sshra.s32 s21, $0x2;
	s21 =	smov.u32 s22;
	v7 =	vld [tilespmem:s19+$0xFFFFFFF0];
	[tilespmem:s20+$0x3060 ss:$0x81] =	vst.msk $0xffff, v3  }
.Ltmp3:
0x44: {  	v1 =	vld [tilespmem:s19+$0x0];
	[tilespmem:s20+$0x0 ss:$0x81] =	vst.msk $0xffff, v0;
	s20 =	sadd.s32 s23, s18;
	(pc) =	sbr.rel @p1 .LBB1_3-.Ltmp3, $4  }
0x45: {  	v2 =	vld [tilespmem:s19+$0x10];
	[tilespmem:s20+$0x3870 ss:$0x81] =	vst.msk $0xffff, v4  }
0x46: {  	[tilespmem:s20+$0x810 ss:$0x81] =	vst.msk $0xffff, v5;
	v3 =	vld [tilespmem:s19+$0x20]  }
0x47: {  	v0 =	vld [tilespmem:s19+$0xFFFFFFC0];
	[tilespmem:s20+$0x1020 ss:$0x81] =	vst.msk $0xffff, v6;
	s19 =	sadd.s32 $0x80, s19  }
0x48: {  	s22 =	sadd.s32 $0x4, s22;
	v4 =	vld [tilespmem:s19+$0x30];
	[tilespmem:s20+$0x1830 ss:$0x81] =	vst.msk $0xffff, v7  }
.Ltmp4:
0x49: {  	_ = 	snop;
	(pc) =	sbr.rel .LBB1_4-.Ltmp4, $1  }
0x4a: {  	_ =	sdelay $0x3  }
.LBB1_6:
0x4b: {  	_ =	sfence.sel $0x180000  }
0x4c: {  	s2 =	simm.s32 $0x1;
	[bflag:$0x0] =	sbarrier.arrive $0xFFFF  }
0x4d: {  	s31 =	simm.s32 $0x2;
	[sflag:s2] =	ssyncpa.u1 $0x1  }
0x4e: {  	[sflag:s31] =	ssyncpa.u1 $0x1  }
0x4f: {  	p0 =	sne.s32 s0, $0x0;
	_ =	strace $0x9000004D  }
0x50: {  	s0 =	sadd.s32 @!p0 $0x100000, s1;
	[bflag:$0x2] =	sbarrier.arrive $0xFFFF  }
0x51: {  	[sflag:s0] =	ssyncadd.tile.s32 @!p0 $0x1;
	_ =	shalt  }
.Lfunc_end1:
_tile_overlayer_lowered:
.L_overlay_start_2:
0x52: {  	(tag) =	ssettag $0x2  }
0x53: {  	s0 =	rddreg [dreg:$0x0];
	s2 =	stileid.u32  }
0x54: {  	s1 =	rddreg [dreg:$0x1];
	p0 =	sne.s32 s2, $0x0  }
0x55: {  	s3 =	rddreg [dreg:$0x2];
	[bflag:$0x3] =	sbarrier.arrive $0xFFFF;
	s2 =	simm.s32 @!p0 $0x1C01  }
0x56: {  	[timem:s3], [sflag:s2] =	dma.local @!p0 [hbm:s0], s1  }
0x57: {  	s0 =	simm.s32 @!p0 $0x1  }
0x58: {  	_ =	swait.ge @!p0 [sflag:s0], s1  }
0x59: {  	s1 =	ssub.s32 @!p0 $0x0, s1;
	[sflag:s0] =	ssyncset.done @!p0 $0x0  }
0x5a: {  	[sflag:s0] =	ssyncadd.s32 @!p0 s1  }
0x5b: {  	[bflag:$0x3] =	sbarrier.arrive $0xFFFF  }
0x5c: {  	_ =	shalt  }

// kernel: sparse-core-data-format-call.9.cloned.1.call-start
scs
called_computation.9_lowered:
.L_overlay_start_0:
0x0: {  	s2 =	sld [smem:$0x3FD9]  }
0x1: {  	s3 =	sld [smem:$0x3FFE];
	_ =	sdelay $0x1  }
0x2: {  	s1 =	srdreg.scid  }
0x3: {  	s0 =	sand.u32 $0x1, s1  }
0x4: {  	s18 =	sshll.u32 s0, $0xA;
	s2 =	sadd.s32 s3, s2  }
0x5: {  	s2 =	sadd.s32 s2, s18  }
0x6: {  	[smem:$0x3FB2] =	sst s2  }
0x7: {  	_ = 	snop  }
0x8: {  	(tm) =	ssettm $0x1  }
0x9: {  	s19 =	sld [smem:$0x3FFB];
	_ =	sdelay $0x3  }
0xa: {  	_ =	strace s19  }
0xb: {  	s2 =	sld [smem:$0x3FFC];
	_ =	sdelay $0x3  }
0xc: {  	_ =	strace s2  }
0xd: {  	s2 =	sld [smem:$0x3FFD];
	_ =	sdelay $0x3  }
0xe: {  	_ =	strace s2  }
0xf: {  	_ =	strace $0x8FFFFFFF  }
0x10: {  	s20 =	sld [smem:$0x3FDB];
	_ =	sdelay $0x1  }
0x11: {  	s21 =	simm.s32 $_scs_section_size  }
0x12: {  	s4 =	simm.s32 $_size__tile_overlayer_lowered;
	s5 =	simm.s32 $_tile_overlayer_lowered  }
0x13: {  	s6 =	simm.s32 $0x1BFF;
	s22 =	sshll.u32 s5, $0x1;
	s3 =	sadd.s32 s21, s20  }
0x14: {  	s23 =	simm.s32 $0x0;
	s4 =	sshll.u32 s4, $0x1;
	s5 =	sadd.s32 s22, s3  }
0x15: {  	[timem:s23], [sflag:s6] =	dma.local [hbm:s5], s4  }
0x16: {  	_ =	swait.ge [sflag:s6], s4  }
0x17: {  	s4 =	ssub.s32 $0x0, s4;
	[sflag:s6] =	ssyncset.done $0x0  }
0x18: {  	[sflag:s6] =	ssyncadd.s32 s4;
	_ =	sdelay $0x1  }
0x19: {  	s24 =	simm.s32 $0x1B8B  }
0x1a: {  	_ =	swait.ge [sflag:s24], $0x1  }
0x1b: {  	[sflag:s24] =	ssyncset.done $0x0  }
0x1c: {  	[sflag:s24] =	ssyncadd.s32 $0xFFFFFFFF  }
0x1d: {  	s4 =	sld [smem:$0x0]  }
0x1e: {  	s5 =	sand.u32 $0xFFFFFFFE, s1  }
0x1f: {  	p0 =	sne.s32 s1, s5  }
0x20: {  	s5 =	sshll.u32 @p0 s5, $0xE  }
0x21: {  	s5 =	sadd.s32 @p0 $0x11B8D, s5;
	s6 =	sshll.u32 @p0 s4, $0x11  }
0x22: {  	s5 =	sor.u32 @p0 s6, s5  }
0x23: {  	[sflag:s5] =	ssyncadd.remote.s32 @p0 $0x1;
	_ =	sdelay $0x1  }
0x24: {  	s5 =	simm.s32 @p0 $0x1B8D  }
0x25: {  	_ =	swait.eq @p0 [sflag:s5], $0x1  }
0x26: {  	[sflag:s5] =	ssyncadd.s32 @p0 $0xFFFFFFFF  }
0x27: {  	s6 =	sshll.u32 @!p0 s1, $0xE  }
0x28: {  	s6 =	sor.u32 @!p0 $0x4000, s6;
	s5 =	simm.s32 @!p0 $0x1B8D  }
0x29: {  	s4 =	sshll.u32 @!p0 s4, $0x11;
	s6 =	sadd.s32 @!p0 $0x11B8D, s6;
	_ =	swait.eq @!p0 [sflag:s5], $0x1  }
0x2a: {  	s4 =	sor.u32 @!p0 s4, s6;
	[sflag:s5] =	ssyncadd.s32 @!p0 $0xFFFFFFFF  }
0x2b: {  	s26 =	simm.s32 $0x1B8E;
	s25 =	sld [smem:$0x3FFE];
	[sflag:s4] =	ssyncadd.remote.s32 @!p0 $0x1  }
0x2c: {  	s27 =	simm.s32 $execute0_lowered;
	[smem:$0x3FD2] =	sst s26  }
0x2d: {  	s5 =	sshll.u32 s27, $0x1;
	_ =	strace $0x80000049;
	[dreg:$0x1] =	wrdreg $0xFFFFFFFF  }
0x2e: {  	s28 =	simm.s32 $_size_execute0_lowered;
	s3 =	sadd.s32 s3, s5;
	[dreg:$0x0] =	wrdreg $0x0  }
0x2f: {  	s5 =	sshll.u32 s28, $0x1;
	[dreg:$0x2] =	wrdreg s3  }
0x30: {  	[dreg:$0x3] =	wrdreg s5  }
0x31: {  	[dreg:$0x4] =	wrdreg $0xC0  }
0x32: {  	_ =	task [dreg:s23], $0x5FFFF  }
0x33: {  	[dreg:$0x1] =	wrdreg $0xFFFFFFFF  }
0x34: {  	[dreg:$0x0] =	wrdreg $0x60  }
0x35: {  	[dreg:$0x2] =	wrdreg s25  }
0x36: {  	[dreg:$0x3] =	wrdreg $0xA  }
0x37: {  	_ =	task.clear_ibuf [dreg:s23], $0x4FFFF;
	_ =	strace $0x90000049  }
0x38: {  	s29 =	simm.s32 $0xA;
	_ =	strace $0x8000004B  }
0x39: {  	_ =	swait.ge [sflag:s29], $0x1  }
0x3a: {  	[sflag:s29] =	ssyncadd.s32 $0xFFFFFFFF  }
0x3b: {  	_ =	strace $0x9000004B  }
0x3c: {  	_ =	sfence  }
0x3d: {  	s30 =	sld [smem:$0x0];
	_ =	sdelay $0x2  }
0x3e: {  	s31 =	sshll.u32 s1, $0xD;
	s1 =	sshrl.u32 s1, $0x2  }
0x3f: {  	s4 =	sand.u32 $0x4000, s31;
	s1 =	sadd.s32 s1, s30  }
0x40: {  	s0 =	sor.u32 s4, s0;
	s1 =	sshll.u32 s1, $0x11  }
0x41: {  	s0 =	sor.u32 s1, s0  }
0x42: {  	s0 =	sadd.s32 $0x8F2B, s0  }
0x43: {  	[sflag:s0] =	ssyncadd.remote.s32 $0x1  }
0x44: {  	_ =	sfence.sel $0xFFFF  }
0x45: {  	[dreg:$0x0] =	wrdreg $0xFFFFFFFF;
	(pc) =	sbr.abs _section_cstart, $3  }
0x46: {  	[dreg:$0x1] =	wrdreg $0xFFFFFFFF  }
0x47: {  	_ =	task.clear_ibuf [dreg:s23], $0x2FFFF;
	_ =	strace $0x9FFFFFFF  }
0x48: {  	(tm) =	ssettm $0x7FFFFFFF  }
0x49: {  	_ =	shalt  }
tec
execute0_lowered:
.L_overlay_start_1:
0x0: {  	(tag) =	ssettag $0x1  }
0x1: {  	s0 =	stileid.u32;
	s1 =	srdreg.scid  }
0x2: {  	s4 =	rddreg [dreg:$0x0];
	s7 =	simm.s32 $0x1;
	s31 =	simm.s32 $0x2  }
0x3: {  	s16 =	simm.s32 $0x0;
	s2 =	sshll.u32 s0, $0x4;
	s1 =	sshll.u32 s1, $0x8  }
0x4: {  	s9 =	simm.s32 $0x4000;
	s14 =	simm.s32 $0x0;
	s1 =	sor.u32 s2, s1  }
0x5: {  	s15 =	simm.s32 $0x0;
	s10 =	simm.s32 $0x0;
	s2 =	sand.u32 $0x180, s1  }
0x6: {  	s13 =	simm.s32 $0x0;
	s3 =	sadd.s32 $0x803000, s4;
	s5 =	ssub.s32 $0x800, s2  }
0x7: {  	s4 =	sadd.s32 $0xC03000, s4;
	s1 =	rddreg [dreg:$0x1];
	s6 =	sand.u32 $0x180, s5  }
.Ltmp0:
0x8: {  	_ =	strace $0x8000004A;
	p0 =	sne.s32 s6, $0x0;
	(pc) =	sbr.rel .LBB1_1-.Ltmp0, $4  }
0x9: {  	s11 =	smov.u32 s2;
	s8 =	sshrl.u32 s5, $0x9;
	s7 =	simm.s32 @!p0 $0x0  }
0xa: {  	s5 =	sand.u32 $0x7, s0;
	s6 =	simm.s32 $0x1;
	s7 =	sadd.s32 s7, s8  }
0xb: {  	s12 =	smov.u32 s5;
	[sflag:s6] =	ssyncpa.u1 $0x0;
	s7 =	sshll.u32 s7, $0x4  }
0xc: {  	p0 =	por $0x0, $0x0;
	[sflag:s31] =	ssyncpa.u1 $0x0;
	s8 =	sor.u32 $0x1, s7  }
.LBB1_4:
0xd: {  	v5 =	vld [tilespmem:s19+$0xFFFFFFD0]  }
0xe: {  	[tilespmem:s20+$0x2040 ss:$0x81] =	vst.msk $0xffff, v1;
	v58 =	vld [tilespmem:s19+$0xFFFFFFE0]  }
0xf: {  	[tilespmem:s20+$0x2850 ss:$0x81] =	vst.msk $0xffff, v2;
	v59 =	vld [tilespmem:s19+$0xFFFFFFF0]  }
0x10: {  	s21 =	sshra.s32 s21, $0x2;
	[tilespmem:s20+$0x3060 ss:$0x81] =	vst.msk $0xffff, v3;
	v60 =	vld [tilespmem:s19+$0x0]  }
0x11: {  	[tilespmem:s20+$0x0 ss:$0x81] =	vst.msk $0xffff, v0;
	v61 =	vld [tilespmem:s19+$0x10];
	s18 =	sadd.s32 s21, s18  }
0x12: {  	s26 =	sshll.u32 s16, $0xB;
	v62 =	vld [tilespmem:s19+$0x20];
	[tilespmem:s18+$0x3870 ss:$0x81] =	vst.msk $0xffff, v4  }
0x13: {  	s27 =	sand.u32 $0x78, s14;
	s22 =	sshll.u32 s14, $0x3;
	v63 =	vld [tilespmem:s19+$0xFFFFFFC0];
	s29 =	sshll.u32 s16, $0x7;
	[tilespmem:s18+$0x810 ss:$0x81] =	vst.msk $0xffff, v5  }
0x14: {  	s15 =	sshll.u32 s15, $0x13;
	s20 =	sand.u32 $0x3FC000, s26;
	s28 =	sand.u32 $0x3FFC00, s22;
	[tilespmem:s18+$0x1020 ss:$0x81] =	vst.msk $0xffff, v58  }
0x15: {  	s31 =	sand.u32 $0x7, s14;
	s22 =	sand.u32 $0x400, s22;
	s19 =	sadd.s32 s28, s20;
	[tilespmem:s18+$0x1830 ss:$0x81] =	vst.msk $0xffff, v59  }
0x16: {  	s16 =	sand.u32 $0x380, s29;
	s30 =	sor.u32 s27, s22;
	s19 =	sshrl.u32 s19, $0x3;
	[tilespmem:s18+$0x2040 ss:$0x81] =	vst.msk $0xffff, v60  }
0x17: {  	s15 =	sadd.s32 s4, s15;
	s16 =	sor.u32 s16, s30;
	s19 =	sand.u32 $0x7FF00, s19;
	[tilespmem:s18+$0x2850 ss:$0x81] =	vst.msk $0xffff, v61  }
0x18: {  	s14 =	sshll.u32 s31, $0x12;
	s16 =	sshrl.u32 s16, $0x3;
	[tilespmem:s18+$0x3060 ss:$0x81] =	vst.msk $0xffff, v62;
	s15 =	sadd.s32 s19, s15  }
0x19: {  	s14 =	sor.u32 $0x400, s14;
	[tilespmem:s18+$0x0 ss:$0x81] =	vst.msk $0xffff, v63;
	s15 =	sadd.s32 s16, s15  }
0x1a: {  	[hbm4b:s15+s14] =	stream.strided.scatter [tilespmem:s17], [sflag:$0x2], $0x4000, s9, s14, $0x20;
	[tilespmem:$0x10100] =	vst v63  }
.LBB1_5:
0x1b: {  	s17 =	sadd.s32 $0x80, s10  }
0x1c: {  	s14 =	sadd.s32 $0x200, s11;
	s18 =	smov.u32 s11;
	p2 =	sgt.s32 s17, $0x7FF  }
0x1d: {  	s18 =	smov.u32 @p2 s14  }
0x1e: {  	s20 =	smov.u32 s12;
	s14 =	sadd.s32 $0x8, s12;
	p3 =	sgt.s32 s18, $0x7FF  }
0x1f: {  	s20 =	smov.u32 @p3 s14  }
0x20: {  	s17 =	simm.s32 @p2 $0x0;
	p2 =	sgt.s32 s20, $0x7  }
0x21: {  	p1 =	slt.u32 s13, $0x2;
	s20 =	smov.u32 @p2 s5;
	p2 =	sne.s32 s13, s8  }
.Ltmp1:
0x22: {  	s19 =	simm.s32 @!p1 $0x2;
	(pc) =	sbr.rel @!p2 .LBB1_6-.Ltmp1, $4  }
0x23: {  	s16 =	smov.u32 s10;
	s15 =	smov.u32 s12;
	_ =	swait.ge @!p1 [sflag:s19], $0x4000  }
0x24: {  	p0 =	por !p0, !p0;
	[sflag:s19] =	ssyncset.done @!p1 $0x0;
	s10 =	smov.u32 s17  }
0x25: {  	s18 =	smov.u32 @p3 s2;
	s14 =	smov.u32 s11;
	[sflag:s19] =	ssyncadd.s32 @!p1 $0xFFFFC000  }
0x26: {  	s11 =	smov.u32 s18;
	s13 =	sadd.s32 $0x1, s13;
	s12 =	smov.u32 s20  }
.LBB1_1:
0x27: {  	p1 =	sge.u32 s13, s7;
	s31 =	sadd.s32 $0xFFFFFFFF, s13  }
0x28: {  	s17 =	sxor.u32 @!p1 $0xFFFFFFFF, s13;
	s18 =	sand.u32 @!p1 $0x78, s10;
	s19 =	sshll.u32 @!p1 s11, $0xB  }
0x29: {  	s20 =	sshll.u32 @!p1 s11, $0x7;
	s21 =	sshll.u32 @!p1 s10, $0x3;
	s17 =	sshll.u32 @!p1 s17, $0xE  }
0x2a: {  	s19 =	sand.u32 @!p1 $0x3FC000, s19;
	s20 =	sand.u32 @!p1 $0x380, s20;
	s17 =	sand.u32 @!p1 $0x4000, s17  }
0x2b: {  	s19 =	sadd.s32 @!p1 s19, s21;
	s21 =	sand.u32 @!p1 $0x400, s21;
	s18 =	sor.u32 @!p1 s20, s18  }
0x2c: {  	s20 =	sshll.u32 @!p1 s12, $0x13;
	s18 =	sor.u32 @!p1 s21, s18;
	s19 =	sshrl.u32 @!p1 s19, $0x3  }
0x2d: {  	s20 =	sadd.s32 @!p1 s3, s20;
	s21 =	sand.u32 @!p1 $0x7, s10;
	s19 =	sand.u32 @!p1 $0x7FF00, s19  }
0x2e: {  	s18 =	sshrl.u32 @!p1 s18, $0x3;
	s19 =	sadd.s32 @!p1 s19, s20;
	s20 =	sshll.u32 @!p1 s21, $0x12  }
0x2f: {  	s18 =	sadd.s32 @!p1 s18, s19;
	s19 =	sor.u32 @!p1 $0x400, s20;
	s20 =	simm.s32 @!p1 $0x4000  }
0x30: {  	[tilespmem:s17], [sflag:$0x1] =	stream.strided.gather @!p1 [hbm4b:s18+s19], $0x4000, s20, s19, $0x38;
	[tilespmem:$0x10100] =	vst v63  }
0x31: {  	p1 =	sge.u32 s31, s7  }
.Ltmp2:
0x32: {  	_ = 	snop;
	(pc) =	sbr.rel @p1 .LBB1_5-.Ltmp2, $1  }
0x33: {  	_ =	sdelay $0x3  }
0x34: {  	s17 =	simm.s32 $0x1  }
0x35: {  	_ =	swait.ge [sflag:s6], $0x4000;
	s17 =	simm.s32 @!p0 $0x0  }
0x36: {  	[sflag:s6] =	ssyncset.done $0x0;
	s18 =	sshll.u32 s17, $0xE  }
0x37: {  	[sflag:s6] =	ssyncadd.s32 $0xFFFFC000;
	s19 =	sor.u32 $0x40, s18  }
0x38: {  	s17 =	smul.u32 $0x10200, s17;
	v0 =	vld [tilespmem:s19+$0x30]  }
0x39: {  	v3 =	vld [tilespmem:s19+$0xFFFFFFD0]  }
0x3a: {  	s17 =	sshrl.u32 s17, $0x2;
	v4 =	vld [tilespmem:s19+$0xFFFFFFE0]  }
0x3b: {  	v5 =	vld [tilespmem:s19+$0xFFFFFFF0];
	s18 =	sor.u32 $0x8000, s17  }
0x3c: {  	s31 =	sand.u32 $0x1, s13;
	v1 =	vld [tilespmem:s19+$0x0];
	s20 =	sadd.s32 $0x0, s18  }
0x3d: {  	v2 =	vld [tilespmem:s19+$0x10];
	s17 =	smul.u32 $0x10200, s31;
	[tilespmem:s20+$0x3870 ss:$0x81] =	vst.msk $0xffff, v0  }
0x3e: {  	[tilespmem:s20+$0x810 ss:$0x81] =	vst.msk $0xffff, v3;
	v3 =	vld [tilespmem:s19+$0x20]  }
0x3f: {  	s17 =	sshrl.u32 s17, $0x2;
	v0 =	vld [tilespmem:s19+$0xFFFFFFC0];
	[tilespmem:s20+$0x1020 ss:$0x81] =	vst.msk $0xffff, v4;
	s19 =	sadd.s32 $0x80, s19  }
0x40: {  	s21 =	simm.s32 $0x4;
	s22 =	simm.s32 $0x8;
	s17 =	sor.u32 $0x8000, s17;
	[tilespmem:s20+$0x1830 ss:$0x81] =	vst.msk $0xffff, v5;
	v4 =	vld [tilespmem:s19+$0x30]  }
.LBB1_3:
0x41: {  	p1 =	sne.s32 s22, $0x1FC;
	v5 =	vld [tilespmem:s19+$0xFFFFFFD0];
	[tilespmem:s20+$0x2040 ss:$0x81] =	vst.msk $0xffff, v1  }
0x42: {  	v6 =	vld [tilespmem:s19+$0xFFFFFFE0];
	[tilespmem:s20+$0x2850 ss:$0x81] =	vst.msk $0xffff, v2  }
0x43: {  	s23 =	sshra.s32 s21, $0x2;
	s21 =	smov.u32 s22;
	v7 =	vld [tilespmem:s19+$0xFFFFFFF0];
	[tilespmem:s20+$0x3060 ss:$0x81] =	vst.msk $0xffff, v3  }
.Ltmp3:
0x44: {  	v1 =	vld [tilespmem:s19+$0x0];
	[tilespmem:s20+$0x0 ss:$0x81] =	vst.msk $0xffff, v0;
	s20 =	sadd.s32 s23, s18;
	(pc) =	sbr.rel @p1 .LBB1_3-.Ltmp3, $4  }
0x45: {  	v2 =	vld [tilespmem:s19+$0x10];
	[tilespmem:s20+$0x3870 ss:$0x81] =	vst.msk $0xffff, v4  }
0x46: {  	[tilespmem:s20+$0x810 ss:$0x81] =	vst.msk $0xffff, v5;
	v3 =	vld [tilespmem:s19+$0x20]  }
0x47: {  	v0 =	vld [tilespmem:s19+$0xFFFFFFC0];
	[tilespmem:s20+$0x1020 ss:$0x81] =	vst.msk $0xffff, v6;
	s19 =	sadd.s32 $0x80, s19  }
0x48: {  	s22 =	sadd.s32 $0x4, s22;
	v4 =	vld [tilespmem:s19+$0x30];
	[tilespmem:s20+$0x1830 ss:$0x81] =	vst.msk $0xffff, v7  }
.Ltmp4:
0x49: {  	_ = 	snop;
	(pc) =	sbr.rel .LBB1_4-.Ltmp4, $1  }
0x4a: {  	_ =	sdelay $0x3  }
.LBB1_6:
0x4b: {  	_ =	sfence.sel $0x180000  }
0x4c: {  	s2 =	simm.s32 $0x1;
	[bflag:$0x0] =	sbarrier.arrive $0xFFFF  }
0x4d: {  	s31 =	simm.s32 $0x2;
	[sflag:s2] =	ssyncpa.u1 $0x1  }
0x4e: {  	[sflag:s31] =	ssyncpa.u1 $0x1  }
0x4f: {  	p0 =	sne.s32 s0, $0x0;
	_ =	strace $0x9000004A  }
0x50: {  	s0 =	sadd.s32 @!p0 $0x100000, s1;
	[bflag:$0x2] =	sbarrier.arrive $0xFFFF  }
0x51: {  	[sflag:s0] =	ssyncadd.tile.s32 @!p0 $0x1;
	_ =	shalt  }
.Lfunc_end1:
_tile_overlayer_lowered:
.L_overlay_start_2:
0x52: {  	(tag) =	ssettag $0x2  }
0x53: {  	s0 =	rddreg [dreg:$0x0];
	s2 =	stileid.u32  }
0x54: {  	s1 =	rddreg [dreg:$0x1];
	p0 =	sne.s32 s2, $0x0  }
0x55: {  	s3 =	rddreg [dreg:$0x2];
	[bflag:$0x3] =	sbarrier.arrive $0xFFFF;
	s2 =	simm.s32 @!p0 $0x1C01  }
0x56: {  	[timem:s3], [sflag:s2] =	dma.local @!p0 [hbm:s0], s1  }
0x57: {  	s0 =	simm.s32 @!p0 $0x1  }
0x58: {  	_ =	swait.ge @!p0 [sflag:s0], s1  }
0x59: {  	s1 =	ssub.s32 @!p0 $0x0, s1;
	[sflag:s0] =	ssyncset.done @!p0 $0x0  }
0x5a: {  	[sflag:s0] =	ssyncadd.s32 @!p0 s1  }
0x5b: {  	[bflag:$0x3] =	sbarrier.arrive $0xFFFF  }
0x5c: {  	_ =	shalt  }

// kernel: sparse-core-data-format-call.cloned.1.call-start
scs
called_computation_lowered:
.L_overlay_start_0:
0x0: {  	s2 =	sld [smem:$0x3FD9]  }
0x1: {  	s3 =	sld [smem:$0x3FFE];
	_ =	sdelay $0x1  }
0x2: {  	s1 =	srdreg.scid  }
0x3: {  	s0 =	sand.u32 $0x1, s1  }
0x4: {  	s18 =	sshll.u32 s0, $0xA;
	s2 =	sadd.s32 s3, s2  }
0x5: {  	s2 =	sadd.s32 s2, s18  }
0x6: {  	[smem:$0x3FB2] =	sst s2  }
0x7: {  	_ = 	snop  }
0x8: {  	(tm) =	ssettm $0x1  }
0x9: {  	s19 =	sld [smem:$0x3FFB];
	_ =	sdelay $0x3  }
0xa: {  	_ =	strace s19  }
0xb: {  	s2 =	sld [smem:$0x3FFC];
	_ =	sdelay $0x3  }
0xc: {  	_ =	strace s2  }
0xd: {  	s2 =	sld [smem:$0x3FFD];
	_ =	sdelay $0x3  }
0xe: {  	_ =	strace s2  }
0xf: {  	_ =	strace $0x8FFFFFFF  }
0x10: {  	s20 =	sld [smem:$0x3FDB];
	_ =	sdelay $0x1  }
0x11: {  	s21 =	simm.s32 $_scs_section_size  }
0x12: {  	s4 =	simm.s32 $_size__tile_overlayer_lowered;
	s5 =	simm.s32 $_tile_overlayer_lowered  }
0x13: {  	s6 =	simm.s32 $0x1BFF;
	s22 =	sshll.u32 s5, $0x1;
	s3 =	sadd.s32 s21, s20  }
0x14: {  	s23 =	simm.s32 $0x0;
	s4 =	sshll.u32 s4, $0x1;
	s5 =	sadd.s32 s22, s3  }
0x15: {  	[timem:s23], [sflag:s6] =	dma.local [hbm:s5], s4  }
0x16: {  	_ =	swait.ge [sflag:s6], s4  }
0x17: {  	s4 =	ssub.s32 $0x0, s4;
	[sflag:s6] =	ssyncset.done $0x0  }
0x18: {  	[sflag:s6] =	ssyncadd.s32 s4;
	_ =	sdelay $0x1  }
0x19: {  	s24 =	simm.s32 $0x1B8B  }
0x1a: {  	_ =	swait.ge [sflag:s24], $0x1  }
0x1b: {  	[sflag:s24] =	ssyncset.done $0x0  }
0x1c: {  	[sflag:s24] =	ssyncadd.s32 $0xFFFFFFFF  }
0x1d: {  	s4 =	sld [smem:$0x0]  }
0x1e: {  	s5 =	sand.u32 $0xFFFFFFFE, s1  }
0x1f: {  	p0 =	sne.s32 s1, s5  }
0x20: {  	s5 =	sshll.u32 @p0 s5, $0xE  }
0x21: {  	s5 =	sadd.s32 @p0 $0x11B8D, s5;
	s6 =	sshll.u32 @p0 s4, $0x11  }
0x22: {  	s5 =	sor.u32 @p0 s6, s5  }
0x23: {  	[sflag:s5] =	ssyncadd.remote.s32 @p0 $0x1;
	_ =	sdelay $0x1  }
0x24: {  	s5 =	simm.s32 @p0 $0x1B8D  }
0x25: {  	_ =	swait.eq @p0 [sflag:s5], $0x1  }
0x26: {  	[sflag:s5] =	ssyncadd.s32 @p0 $0xFFFFFFFF  }
0x27: {  	s6 =	sshll.u32 @!p0 s1, $0xE  }
0x28: {  	s6 =	sor.u32 @!p0 $0x4000, s6;
	s5 =	simm.s32 @!p0 $0x1B8D  }
0x29: {  	s4 =	sshll.u32 @!p0 s4, $0x11;
	s6 =	sadd.s32 @!p0 $0x11B8D, s6;
	_ =	swait.eq @!p0 [sflag:s5], $0x1  }
0x2a: {  	s4 =	sor.u32 @!p0 s4, s6;
	[sflag:s5] =	ssyncadd.s32 @!p0 $0xFFFFFFFF  }
0x2b: {  	s26 =	simm.s32 $0x1B8E;
	s25 =	sld [smem:$0x3FFE];
	[sflag:s4] =	ssyncadd.remote.s32 @!p0 $0x1  }
0x2c: {  	s27 =	simm.s32 $execute0_lowered;
	[smem:$0x3FD2] =	sst s26  }
0x2d: {  	s5 =	sshll.u32 s27, $0x1;
	_ =	strace $0x80000061;
	[dreg:$0x1] =	wrdreg $0xFFFFFFFF  }
0x2e: {  	s28 =	simm.s32 $_size_execute0_lowered;
	s3 =	sadd.s32 s3, s5;
	[dreg:$0x0] =	wrdreg $0x0  }
0x2f: {  	s5 =	sshll.u32 s28, $0x1;
	[dreg:$0x2] =	wrdreg s3  }
0x30: {  	[dreg:$0x3] =	wrdreg s5  }
0x31: {  	[dreg:$0x4] =	wrdreg $0xC0  }
0x32: {  	_ =	task [dreg:s23], $0x5FFFF  }
0x33: {  	[dreg:$0x1] =	wrdreg $0xFFFFFFFF  }
0x34: {  	[dreg:$0x0] =	wrdreg $0x60  }
0x35: {  	[dreg:$0x2] =	wrdreg s25  }
0x36: {  	[dreg:$0x3] =	wrdreg $0x9  }
0x37: {  	_ =	task.clear_ibuf [dreg:s23], $0x4FFFF;
	_ =	strace $0x90000061  }
0x38: {  	s29 =	simm.s32 $0x9;
	_ =	strace $0x80000063  }
0x39: {  	_ =	swait.ge [sflag:s29], $0x1  }
0x3a: {  	[sflag:s29] =	ssyncadd.s32 $0xFFFFFFFF  }
0x3b: {  	_ =	strace $0x90000063  }
0x3c: {  	_ =	sfence  }
0x3d: {  	s30 =	sld [smem:$0x0];
	_ =	sdelay $0x2  }
0x3e: {  	s31 =	sshll.u32 s1, $0xD;
	s1 =	sshrl.u32 s1, $0x2  }
0x3f: {  	s4 =	sand.u32 $0x4000, s31;
	s1 =	sadd.s32 s1, s30  }
0x40: {  	s0 =	sor.u32 s4, s0;
	s1 =	sshll.u32 s1, $0x11  }
0x41: {  	s0 =	sor.u32 s1, s0  }
0x42: {  	s0 =	sadd.s32 $0x8F2B, s0  }
0x43: {  	[sflag:s0] =	ssyncadd.remote.s32 $0x1  }
0x44: {  	_ =	sfence.sel $0xFFFF  }
0x45: {  	[dreg:$0x0] =	wrdreg $0xFFFFFFFF;
	(pc) =	sbr.abs _section_cstart, $3  }
0x46: {  	[dreg:$0x1] =	wrdreg $0xFFFFFFFF  }
0x47: {  	_ =	task.clear_ibuf [dreg:s23], $0x2FFFF;
	_ =	strace $0x9FFFFFFF  }
0x48: {  	(tm) =	ssettm $0x7FFFFFFF  }
0x49: {  	_ =	shalt  }
tec
execute0_lowered:
.L_overlay_start_1:
0x0: {  	(tag) =	ssettag $0x1  }
0x1: {  	s0 =	stileid.u32  }
0x2: {  	s1 =	srdreg.scid;
	s4 =	rddreg [dreg:$0x0]  }
0x3: {  	s7 =	simm.s32 $0x1;
	s8 =	simm.s32 $0x2;
	s17 =	simm.s32 $0x0  }
0x4: {  	s9 =	simm.s32 $0x10000;
	s2 =	sshll.u32 s0, $0x4;
	s1 =	sshll.u32 s1, $0x8  }
0x5: {  	s16 =	simm.s32 $0x0;
	s15 =	simm.s32 $0x0;
	s1 =	sor.u32 s2, s1  }
0x6: {  	s18 =	simm.s32 $0x0;
	s10 =	simm.s32 $0x0;
	s2 =	sand.u32 $0x180, s1  }
0x7: {  	s11 =	simm.s32 $0x0;
	s14 =	simm.s32 $0x0;
	s6 =	ssub.s32 $0x800, s2  }
0x8: {  	s3 =	sadd.s32 $0x800, s4;
	s4 =	sadd.s32 $0xEA1000, s4;
	s5 =	sand.u32 $0x180, s6  }
.Ltmp0:
0x9: {  	s1 =	rddreg [dreg:$0x1];
	p0 =	sne.s32 s5, $0x0;
	(pc) =	sbr.rel .LBB1_1-.Ltmp0, $4  }
0xa: {  	_ =	strace $0x80000062;
	s6 =	sshrl.u32 s6, $0x9;
	s7 =	simm.s32 @!p0 $0x0  }
0xb: {  	s12 =	smov.u32 s2;
	s5 =	simm.s32 $0x1;
	s7 =	sadd.s32 s7, s6  }
0xc: {  	[sflag:s5] =	ssyncpa.u1 $0x0;
	s6 =	sand.u32 $0x7, s0;
	s7 =	sshll.u32 s7, $0x2  }
0xd: {  	[sflag:s8] =	ssyncpa.u1 $0x0;
	s13 =	smov.u32 s6;
	s8 =	sor.u32 $0x1, s7  }
.LBB1_7:
0xe: {  	s19 =	sadd.s32 $0x8, s10  }
0xf: {  	s15 =	sadd.s32 $0x10, s11;
	s20 =	smov.u32 s11;
	p1 =	sgt.s32 s19, $0x1F  }
0x10: {  	s20 =	smov.u32 @p1 s15  }
0x11: {  	s21 =	smov.u32 s12;
	s15 =	sadd.s32 $0x200, s12;
	p2 =	sgt.s32 s20, $0xF  }
0x12: {  	s21 =	smov.u32 @p2 s15  }
0x13: {  	s22 =	smov.u32 s13;
	s15 =	sadd.s32 $0x8, s13;
	p3 =	sgt.s32 s21, $0x7FF  }
0x14: {  	s22 =	smov.u32 @p3 s15  }
0x15: {  	p0 =	slt.u32 s14, $0x2;
	s19 =	simm.s32 @p1 $0x0;
	p1 =	sgt.s32 s22, $0x7  }
0x16: {  	s23 =	simm.s32 @!p0 $0x2;
	s22 =	smov.u32 @p1 s6;
	p1 =	sne.s32 s14, s8  }
.Ltmp1:
0x17: {  	s17 =	smov.u32 s10;
	_ =	swait.ge @!p0 [sflag:s23], $0x4000;
	(pc) =	sbr.rel @!p1 .LBB1_8-.Ltmp1, $4  }
0x18: {  	s16 =	smov.u32 s11;
	s18 =	smov.u32 s13;
	[sflag:s23] =	ssyncset.done @!p0 $0x0  }
0x19: {  	s10 =	smov.u32 s19;
	s20 =	simm.s32 @p2 $0x0;
	[sflag:s23] =	ssyncadd.s32 @!p0 $0xFFFFC000  }
0x1a: {  	s11 =	smov.u32 s20;
	s21 =	smov.u32 @p3 s2;
	s15 =	smov.u32 s12  }
0x1b: {  	s12 =	smov.u32 s21;
	s14 =	sadd.s32 $0x1, s14;
	s13 =	smov.u32 s22  }
.LBB1_1:
0x1c: {  	p0 =	sge.u32 s14, s7;
	s31 =	sadd.s32 $0xFFFFFFFF, s14  }
0x1d: {  	s19 =	sshll.u32 @!p0 s11, $0x7;
	s20 =	sshll.u32 @!p0 s10, $0x3;
	s22 =	sxor.u32 @!p0 $0xFFFFFFFF, s14  }
0x1e: {  	s23 =	sshrl.u32 @!p0 s10, $0x3;
	s21 =	sand.u32 @!p0 $0x400, s19;
	s20 =	sand.u32 @!p0 $0x400, s20  }
0x1f: {  	s19 =	sand.u32 @!p0 $0x380, s19;
	s20 =	sadd.s32 @!p0 s21, s20;
	s21 =	sshll.u32 @!p0 s22, $0xE  }
0x20: {  	s19 =	sor.u32 @!p0 s19, s20;
	s20 =	sand.u32 @!p0 $0x4000, s21;
	s21 =	sshll.u32 @!p0 s13, $0x13  }
0x21: {  	s23 =	sand.u32 @!p0 $0xF, s23;
	s22 =	sshll.u32 @!p0 s12, $0x8;
	s21 =	sadd.s32 @!p0 s3, s21  }
0x22: {  	s19 =	sshrl.u32 @!p0 s19, $0x3;
	s21 =	sadd.s32 @!p0 s22, s21;
	s22 =	sand.u32 @!p0 $0x7, s10  }
0x23: {  	s19 =	sand.u32 @!p0 $0xF0, s19;
	s21 =	sadd.s32 @!p0 s23, s21;
	s22 =	sshll.u32 @!p0 s22, $0x12  }
0x24: {  	s19 =	sadd.s32 @!p0 s19, s21;
	s21 =	sor.u32 @!p0 $0x8, s22;
	s22 =	simm.s32 @!p0 $0x80  }
0x25: {  	[tilespmem:s20], [sflag:$0x1] =	stream.strided.gather @!p0 [hbm4b:s19+s21], $0x4000, s22, s21, $0x38;
	[tilespmem:$0x10100] =	vst v63  }
0x26: {  	p0 =	sge.u32 s31, s7  }
.Ltmp2:
0x27: {  	_ = 	snop;
	(pc) =	sbr.rel @p0 .LBB1_7-.Ltmp2, $1  }
0x28: {  	_ =	sdelay $0x3  }
0x29: {  	s19 =	sand.u32 $0x1, s14  }
0x2a: {  	_ =	swait.ge [sflag:s5], $0x4000;
	s20 =	smul.u32 $0x10200, s19  }
0x2b: {  	[sflag:s5] =	ssyncset.done $0x0  }
0x2c: {  	[sflag:s5] =	ssyncadd.s32 $0xFFFFC000;
	s21 =	sshrl.u32 s20, $0x2  }
0x2d: {  	s20 =	sshll.u32 s19, $0xE;
	s19 =	sor.u32 $0x8000, s21;
	s21 =	simm.s32 $0x0  }
.LBB1_3:
0x2e: {  	s22 =	sshll.u32 s21, $0x7  }
0x2f: {  	s22 =	sand.u32 $0x3FFFFF80, s22  }
0x30: {  	s22 =	sadd.s32 s22, s20  }
0x31: {  	v0 =	vmov s22;
	_ =	sdelay $0x1  }
0x32: {  	p0 =	por $0x1, $0x1;
	s22 =	simm.s32 $0x0  }
.LBB1_4:
0x33: {  	s23 =	sshll.u32 s22, $0x3  }
0x34: {  	s23 =	sand.u32 $0x3FFFFFF8, s23  }
0x35: {  	s31 =	smul.u32 $0x1020, s22;
	v1 =	vld.idx.msk [tilespmem:v0+s23+$0x0 ss:$0x1], $0xff;
	_ =	sdelay $0x1  }
0x36: {  	s22 =	sshra.s32 s31, $0x2  }
0x37: {  	s22 =	sadd.s32 s22, s19  }
0x38: {  	s22 =	sadd.s32 s21, s22  }
0x39: {  	[tilespmem:s22+$0x0 ss:$0x81] =	vst.msk $0xff, v1  }
0x3a: {  	v1 =	vld.idx.msk [tilespmem:v0+s23+$0x8 ss:$0x1], $0xff;
	_ =	sdelay $0x4  }
0x3b: {  	[tilespmem:s22+$0x408 ss:$0x81] =	vst.msk $0xff, v1  }
0x3c: {  	v1 =	vld.idx.msk [tilespmem:v0+s23+$0x10 ss:$0x1], $0xff;
	_ =	sdelay $0x4  }
0x3d: {  	[tilespmem:s22+$0x810 ss:$0x81] =	vst.msk $0xff, v1  }
0x3e: {  	v1 =	vld.idx.msk [tilespmem:v0+s23+$0x18 ss:$0x1], $0xff;
	_ =	sdelay $0x4  }
0x3f: {  	[tilespmem:s22+$0xC18 ss:$0x81] =	vst.msk $0xff, v1  }
0x40: {  	v1 =	vld.idx.msk [tilespmem:v0+s23+$0x20 ss:$0x1], $0xff;
	_ =	sdelay $0x4  }
0x41: {  	[tilespmem:s22+$0x1020 ss:$0x81] =	vst.msk $0xff, v1  }
0x42: {  	v1 =	vld.idx.msk [tilespmem:v0+s23+$0x28 ss:$0x1], $0xff;
	_ =	sdelay $0x4  }
0x43: {  	[tilespmem:s22+$0x1428 ss:$0x81] =	vst.msk $0xff, v1  }
0x44: {  	v1 =	vld.idx.msk [tilespmem:v0+s23+$0x30 ss:$0x1], $0xff;
	_ =	sdelay $0x4  }
0x45: {  	[tilespmem:s22+$0x1830 ss:$0x81] =	vst.msk $0xff, v1  }
0x46: {  	p1 =	por p0, p0;
	v1 =	vld.idx.msk [tilespmem:v0+s23+$0x38 ss:$0x1], $0xff  }
.Ltmp3:
0x47: {  	_ = 	snop;
	(pc) =	sbr.rel @p1 .LBB1_4-.Ltmp3, $2  }
0x48: {  	_ =	sdelay $0x2  }
0x49: {  	p0 =	por $0x0, $0x0;
	[tilespmem:s22+$0x1C38 ss:$0x81] =	vst.msk $0xff, v1;
	s22 =	simm.s32 $0x8  }
0x4a: {  	s21 =	sadd.s32 $0x1, s21  }
0x4b: {  	p0 =	sne.s32 s21, $0x80  }
.Ltmp4:
0x4c: {  	_ = 	snop;
	(pc) =	sbr.rel @p0 .LBB1_3-.Ltmp4, $1  }
0x4d: {  	_ =	sdelay $0x3  }
0x4e: {  	s20 =	sand.u32 $0x78, s15  }
0x4f: {  	s21 =	sshll.u32 s17, $0xB;
	s22 =	sshll.u32 s15, $0x3;
	s29 =	sshll.u32 s17, $0x7  }
0x50: {  	s18 =	sshll.u32 s18, $0x11;
	s16 =	sshll.u32 s16, $0xD;
	s31 =	sand.u32 $0x7, s15  }
0x51: {  	s21 =	sand.u32 $0xC000, s21;
	s23 =	sand.u32 $0x400, s22;
	s22 =	sand.u32 $0xFC00, s22  }
0x52: {  	s17 =	sand.u32 $0x380, s29;
	s18 =	sadd.s32 s4, s18;
	s21 =	sadd.s32 s22, s21  }
.Ltmp5:
0x53: {  	s20 =	sor.u32 s20, s23;
	s30 =	sshrl.u32 s21, $0x3;
	(pc) =	sbr.rel .LBB1_7-.Ltmp5, $4  }
0x54: {  	s16 =	sadd.s32 s16, s18;
	s17 =	sor.u32 s17, s20;
	s20 =	sand.u32 $0x1F00, s30  }
0x55: {  	s15 =	sshll.u32 s31, $0x12;
	s17 =	sshrl.u32 s17, $0x3;
	s16 =	sadd.s32 s20, s16  }
0x56: {  	s15 =	sor.u32 $0x400, s15;
	s16 =	sadd.s32 s17, s16  }
0x57: {  	[hbm4b:s16+s15] =	stream.strided.scatter [tilespmem:s19], [sflag:$0x2], $0x4000, s9, s15, $0x20;
	[tilespmem:$0x10100] =	vst v63  }
.LBB1_8:
0x58: {  	_ =	sfence.sel $0x180000  }
0x59: {  	s2 =	simm.s32 $0x1;
	[bflag:$0x0] =	sbarrier.arrive $0xFFFF  }
0x5a: {  	s31 =	simm.s32 $0x2;
	[sflag:s2] =	ssyncpa.u1 $0x1  }
0x5b: {  	[sflag:s31] =	ssyncpa.u1 $0x1  }
0x5c: {  	p0 =	sne.s32 s0, $0x0;
	_ =	strace $0x90000062  }
0x5d: {  	s0 =	sadd.s32 @!p0 $0x100000, s1;
	[bflag:$0x2] =	sbarrier.arrive $0xFFFF  }
0x5e: {  	[sflag:s0] =	ssyncadd.tile.s32 @!p0 $0x1;
	_ =	shalt  }
.Lfunc_end1:
_tile_overlayer_lowered:
.L_overlay_start_2:
0x5f: {  	(tag) =	ssettag $0x2  }
0x60: {  	s0 =	rddreg [dreg:$0x0];
	s2 =	stileid.u32  }
0x61: {  	s1 =	rddreg [dreg:$0x1];
	p0 =	sne.s32 s2, $0x0  }
0x62: {  	s3 =	rddreg [dreg:$0x2];
	[bflag:$0x3] =	sbarrier.arrive $0xFFFF;
	s2 =	simm.s32 @!p0 $0x1C01  }
0x63: {  	[timem:s3], [sflag:s2] =	dma.local @!p0 [hbm:s0], s1  }
0x64: {  	s0 =	simm.s32 @!p0 $0x1  }
0x65: {  	_ =	swait.ge @!p0 [sflag:s0], s1  }
0x66: {  	s1 =	ssub.s32 @!p0 $0x0, s1;
	[sflag:s0] =	ssyncset.done @!p0 $0x0  }
0x67: {  	[sflag:s0] =	ssyncadd.s32 @!p0 s1  }
0x68: {  	[bflag:$0x3] =	sbarrier.arrive $0xFFFF  }
0x69: {  	_ =	shalt  }

</sc_bundles>
